<compile_context>
chip_gen: v7x
topology: tpu7x:2x2x1
jax: 0.10.2.dev20260603
libtpu: 0.0.44.dev20260713+nightly
codegen_flags: <defaults>
</compile_context>

<pallas_src>
import jax
import jax.numpy as jnp
from jax.experimental import pallas as pl

_NPOINTS = [1024, 256, 64, 16]
_RADII = [0.1, 0.2, 0.4, 0.8]
_NSAMPLE = 32


def _mlp_matmul_kernel(x_ref, w_ref, o_ref):
    o_ref[0] = jnp.dot(x_ref[0], w_ref[...], preferred_element_type=jnp.float32)


def _linear_pallas(x, W):
    B, M, C = x.shape
    O = W.shape[0]
    Wt = jnp.transpose(W)
    TM = min(M, 4096)
    return pl.pallas_call(
        _mlp_matmul_kernel,
        grid=(B, M // TM),
        in_specs=[
            pl.BlockSpec((1, TM, C), lambda i, j: (i, j, 0)),
            pl.BlockSpec((C, O), lambda i, j: (0, 0)),
        ],
        out_specs=pl.BlockSpec((1, TM, O), lambda i, j: (i, j, 0)),
        out_shape=jax.ShapeDtypeStruct((B, M, O), jnp.float32),
    )(x, Wt)


def _square_distance(src, dst):
    d = -2.0 * jnp.einsum('bmc,bnc->bmn', src, dst)
    d = d + jnp.sum(src ** 2, axis=-1)[:, :, None]
    d = d + jnp.sum(dst ** 2, axis=-1)[:, None, :]
    return d


def _index_points(points, idx):
    b = points.shape[0]
    batch = jnp.arange(b).reshape((b,) + (1,) * (idx.ndim - 1))
    return points[batch, idx]


def _farthest_point_sample(xyz, npoint):
    b, n, _ = xyz.shape

    def body(i, state):
        centroids, distance, farthest = state
        centroids = centroids.at[:, i].set(farthest)
        centroid = xyz[jnp.arange(b), farthest][:, None, :]
        dist = jnp.sum((xyz - centroid) ** 2, axis=-1)
        distance = jnp.minimum(distance, dist)
        farthest = jnp.argmax(distance, axis=-1).astype(jnp.int32)
        return centroids, distance, farthest

    centroids = jnp.zeros((b, npoint), dtype=jnp.int32)
    distance = jnp.full((b, n), 1e10, dtype=xyz.dtype)
    farthest = jnp.zeros((b,), dtype=jnp.int32)
    centroids, _, _ = jax.lax.fori_loop(0, npoint, body, (centroids, distance, farthest))
    return centroids


def _query_ball_point(radius, nsample, xyz, new_xyz):
    b, n, _ = xyz.shape
    s = new_xyz.shape[1]
    sqrdists = _square_distance(new_xyz, xyz)
    group_idx = jnp.broadcast_to(jnp.arange(n, dtype=jnp.int32), (b, s, n))
    group_idx = jnp.where(sqrdists > radius ** 2, n, group_idx)
    group_idx = jnp.sort(group_idx, axis=-1)[:, :, :nsample]
    group_first = group_idx[:, :, :1]
    group_idx = jnp.where(group_idx == n, group_first, group_idx)
    return group_idx


def _sa_layer(xyz, points, npoint, radius, nsample, layer_params):
    xyz_t = jnp.transpose(xyz, (0, 2, 1))
    points_t = jnp.transpose(points, (0, 2, 1))
    xyz_sg = jax.lax.stop_gradient(xyz_t)
    fps_idx = _farthest_point_sample(xyz_sg, npoint)
    new_xyz = _index_points(xyz_t, fps_idx)
    idx = _query_ball_point(radius, nsample, xyz_sg, jax.lax.stop_gradient(new_xyz))
    grouped_xyz = _index_points(xyz_t, idx)
    grouped_xyz_norm = grouped_xyz - new_xyz[:, :, None, :]
    grouped_points = _index_points(points_t, idx)
    h = jnp.concatenate([grouped_xyz_norm, grouped_points], axis=-1)
    b, s, k, c = h.shape
    h2 = h.reshape(b, s * k, c)
    for (W, bb, gamma, beta) in layer_params:
        y = _linear_pallas(h2, W) + bb
        mean = jnp.mean(y, axis=(0, 1), keepdims=True)
        var = jnp.var(y, axis=(0, 1), keepdims=True)
        y = (y - mean) / jnp.sqrt(var + 1e-5) * gamma + beta
        h2 = jax.nn.relu(y)
    h = h2.reshape(b, s, k, -1)
    new_points = jnp.max(h, axis=2)
    return jnp.transpose(new_xyz, (0, 2, 1)), jnp.transpose(new_points, (0, 2, 1))


def kernel(xyz, params):
    l0_xyz = xyz[:, :3, :]
    lx, lp = l0_xyz, xyz
    xs = [l0_xyz]
    ps = []
    for li in range(4):
        lx, lp = _sa_layer(lx, lp, _NPOINTS[li], _RADII[li], _NSAMPLE, params[li])
        xs.append(lx)
        ps.append(lp)
    return tuple(xs) + tuple(ps)

# --- scband reference (transcript-rebuilt; emitter-appended) ---
"""Pipeline reference for scband-set-abstraction-27917287424403 (READ-ONLY COPY).

The authoritative reference and input builder live on the scoring server;
editing this copy changes nothing except your own understanding.
"""

import jax, jax.numpy as jnp
import numpy as np

B = 8
N = 4096
NPOINTS = [1024, 256, 64, 16]
RADII = [0.1, 0.2, 0.4, 0.8]
NSAMPLE = 32
MLPS = [[32, 32, 64], [64, 64, 128], [128, 128, 256], [256, 256, 512]]
IN_CH = [9 + 3, 64 + 3, 128 + 3, 256 + 3]


def make_params(key):
    params = []
    for cin, mlp in zip(IN_CH, MLPS):
        layer = []
        c = cin
        for cout in mlp:
            key, k1 = jax.random.split(key)
            W = jax.random.normal(k1, (cout, c), dtype=jnp.float32) * 0.1
            layer.append((W, jnp.zeros((cout,), jnp.float32), jnp.ones((cout,), jnp.float32), jnp.zeros((cout,), jnp.float32)))
            c = cout
        params.append(layer)
    return params


def setup_inputs(seed: int = 0):
    key = jax.random.key(seed)
    k1, k2 = jax.random.split(key)
    xyz = jax.random.normal(k1, (B, 9, N), dtype=jnp.float32)
    return {"xyz": xyz, "params": make_params(k2)}


def square_distance(src, dst):
    d = -2.0 * jnp.einsum('bmc,bnc->bmn', src, dst)
    d = d + jnp.sum(src ** 2, axis=-1)[:, :, None]
    d = d + jnp.sum(dst ** 2, axis=-1)[:, None, :]
    return d


def index_points(points, idx):
    b = points.shape[0]
    batch = jnp.arange(b).reshape((b,) + (1,) * (idx.ndim - 1))
    return points[batch, idx]


def farthest_point_sample(xyz, npoint):
    b, n, _ = xyz.shape

    def body(i, state):
        centroids, distance, farthest = state
        centroids = centroids.at[:, i].set(farthest)
        centroid = xyz[jnp.arange(b), farthest][:, None, :]
        dist = jnp.sum((xyz - centroid) ** 2, axis=-1)
        distance = jnp.minimum(distance, dist)
        farthest = jnp.argmax(distance, axis=-1).astype(jnp.int32)
        return centroids, distance, farthest

    centroids = jnp.zeros((b, npoint), dtype=jnp.int32)
    distance = jnp.full((b, n), 1e10, dtype=xyz.dtype)
    farthest = jnp.zeros((b,), dtype=jnp.int32)
    centroids, _, _ = jax.lax.fori_loop(0, npoint, body, (centroids, distance, farthest))
    return centroids


def query_ball_point(radius, nsample, xyz, new_xyz):
    b, n, _ = xyz.shape
    s = new_xyz.shape[1]
    sqrdists = square_distance(new_xyz, xyz)
    group_idx = jnp.broadcast_to(jnp.arange(n, dtype=jnp.int32), (b, s, n))
    group_idx = jnp.where(sqrdists > radius ** 2, n, group_idx)
    group_idx = jnp.sort(group_idx, axis=-1)[:, :, :nsample]
    group_first = group_idx[:, :, :1]
    group_idx = jnp.where(group_idx == n, group_first, group_idx)
    return group_idx


def sa_layer(xyz, points, npoint, radius, nsample, layer_params):
    xyz_t = jnp.transpose(xyz, (0, 2, 1))
    points_t = jnp.transpose(points, (0, 2, 1))
    xyz_sg = jax.lax.stop_gradient(xyz_t)
    fps_idx = farthest_point_sample(xyz_sg, npoint)
    new_xyz = index_points(xyz_t, fps_idx)
    idx = query_ball_point(radius, nsample, xyz_sg, jax.lax.stop_gradient(new_xyz))
    grouped_xyz = index_points(xyz_t, idx)
    grouped_xyz_norm = grouped_xyz - new_xyz[:, :, None, :]
    grouped_points = index_points(points_t, idx)
    h = jnp.concatenate([grouped_xyz_norm, grouped_points], axis=-1)
    for (W, bb, gamma, beta) in layer_params:
        h = jnp.einsum('bskc,oc->bsko', h, W) + bb
        mean = jnp.mean(h, axis=(0, 1, 2), keepdims=True)
        var = jnp.var(h, axis=(0, 1, 2), keepdims=True)
        h = (h - mean) / jnp.sqrt(var + 1e-5) * gamma + beta
        h = jax.nn.relu(h)
    new_points = jnp.max(h, axis=2)
    return jnp.transpose(new_xyz, (0, 2, 1)), jnp.transpose(new_points, (0, 2, 1))


def reference(xyz, params):
    l0_xyz = xyz[:, :3, :]
    lx, lp = l0_xyz, xyz
    xs = [l0_xyz]
    ps = []
    for li in range(4):
        lx, lp = sa_layer(lx, lp, NPOINTS[li], RADII[li], NSAMPLE, params[li])
        xs.append(lx)
        ps.append(lp)
    return tuple(xs) + tuple(ps)

if __name__ == "__main__":
    import jax
    _d = setup_inputs()
    print(jax.jit(kernel)(*tuple(_d.values())))

</pallas_src>

<mosaic_0001>
module attributes {stable_mosaic.version = 14 : i64} {
  func.func @_mlp_matmul_kernel(%arg0: i32, %arg1: i32, %arg2: memref<1x4096x12xf32, #tpu.memory_space<vmem>>, %arg3: memref<12x32xf32, #tpu.memory_space<vmem>>, %arg4: memref<1x4096x32xf32, #tpu.memory_space<vmem>>) attributes {dimension_semantics = [#tpu.dimension_semantics<arbitrary>, #tpu.dimension_semantics<arbitrary>], iteration_bounds = array<i64: 8, 8>, scalar_prefetch = 0 : i64, scratch_operands = 0 : i64, tpu.core_type = #tpu.core_type<tc>, window_params = [{transform_indices = @transform_0, window_bounds = array<i64: 1, 4096, 12>}, {pipeline_mode = #tpu.pipeline_mode<synchronous>, transform_indices = @transform_1, window_bounds = array<i64: 12, 32>}, {transform_indices = @transform_2, window_bounds = array<i64: 1, 4096, 32>}]} {
    %get3A = arith.constant 0 : index
    %get3A_0 = arith.constant 0 : index
    %get3A_1 = arith.constant 0 : index
    %get3A_2 = vector.load %arg2[%get3A, %get3A_0, %get3A_1] : memref<1x4096x12xf32, #tpu.memory_space<vmem>>, vector<1x4096x12xf32>
    %get3A_3 = vector.shape_cast %get3A_2 : vector<1x4096x12xf32> to vector<4096x12xf32>
    %get3A_4 = arith.constant 0 : index
    %get3A_5 = arith.constant 0 : index
    %get3A_6 = vector.load %arg3[%get3A_4, %get3A_5] : memref<12x32xf32, #tpu.memory_space<vmem>>, vector<12x32xf32>
    %dot_general3A = arith.constant dense<0.000000e+00> : vector<4096x32xf32>
    %dot_general3A_7 = tpu.matmul %get3A_3, %get3A_6, %dot_general3A {dimension_numbers = #tpu.dot_dimension_numbers<[1], [0], [0], [1], [0, 0, 1, 1], [], []>, transpose_lhs_hint = false} : vector<4096x12xf32>, vector<12x32xf32>, vector<4096x32xf32> -> vector<4096x32xf32>
    %swap3A = arith.constant 0 : index
    %swap3A_8 = arith.constant 0 : index
    %swap3A_9 = arith.constant 0 : index
    %swap3A_10 = vector.load %arg4[%swap3A, %swap3A_8, %swap3A_9] : memref<1x4096x32xf32, #tpu.memory_space<vmem>>, vector<1x4096x32xf32>
    %swap3A_11 = vector.shape_cast %swap3A_10 : vector<1x4096x32xf32> to vector<4096x32xf32>
    %swap3A_12 = vector.shape_cast %dot_general3A_7 : vector<4096x32xf32> to vector<1x4096x32xf32>
    tpu.vector_store %arg4[%swap3A, %swap3A_8, %swap3A_9], %swap3A_12 {strides = array<i32>} : memref<1x4096x32xf32, #tpu.memory_space<vmem>>, vector<1x4096x32xf32>,
    return
  }
  func.func @transform_0(%arg0: i32, %arg1: i32) -> (i32, i32, i32) {
    %c0_i32 = arith.constant 0 : i32
    %c0_i32_0 = arith.constant 0 : i32
    return %arg0, %arg1, %c0_i32 : i32, i32, i32
  }
  func.func @transform_1(%arg0: i32, %arg1: i32) -> (i32, i32) {
    %c0_i32 = arith.constant 0 : i32
    %c0_i32_0 = arith.constant 0 : i32
    %c0_i32_1 = arith.constant 0 : i32
    return %c0_i32, %c0_i32_0 : i32, i32
  }
  func.func @transform_2(%arg0: i32, %arg1: i32) -> (i32, i32, i32) {
    %c0_i32 = arith.constant 0 : i32
    %c0_i32_0 = arith.constant 0 : i32
    return %arg0, %arg1, %c0_i32 : i32, i32, i32
  }
}

module attributes {stable_mosaic.version = 14 : i64} {
  func.func @_mlp_matmul_kernel(%arg0: i32, %arg1: i32, %arg2: memref<1x4096x32xf32, #tpu.memory_space<vmem>>, %arg3: memref<32x32xf32, #tpu.memory_space<vmem>>, %arg4: memref<1x4096x32xf32, #tpu.memory_space<vmem>>) attributes {dimension_semantics = [#tpu.dimension_semantics<arbitrary>, #tpu.dimension_semantics<arbitrary>], iteration_bounds = array<i64: 8, 8>, scalar_prefetch = 0 : i64, scratch_operands = 0 : i64, tpu.core_type = #tpu.core_type<tc>, window_params = [{transform_indices = @transform_0, window_bounds = array<i64: 1, 4096, 32>}, {pipeline_mode = #tpu.pipeline_mode<synchronous>, transform_indices = @transform_1, window_bounds = array<i64: 32, 32>}, {transform_indices = @transform_2, window_bounds = array<i64: 1, 4096, 32>}]} {
    %get3A = arith.constant 0 : index
    %get3A_0 = arith.constant 0 : index
    %get3A_1 = arith.constant 0 : index
    %get3A_2 = vector.load %arg2[%get3A, %get3A_0, %get3A_1] : memref<1x4096x32xf32, #tpu.memory_space<vmem>>, vector<1x4096x32xf32>
    %get3A_3 = vector.shape_cast %get3A_2 : vector<1x4096x32xf32> to vector<4096x32xf32>
    %get3A_4 = arith.constant 0 : index
    %get3A_5 = arith.constant 0 : index
    %get3A_6 = vector.load %arg3[%get3A_4, %get3A_5] : memref<32x32xf32, #tpu.memory_space<vmem>>, vector<32x32xf32>
    %dot_general3A = arith.constant dense<0.000000e+00> : vector<4096x32xf32>
    %dot_general3A_7 = tpu.matmul %get3A_3, %get3A_6, %dot_general3A {dimension_numbers = #tpu.dot_dimension_numbers<[1], [0], [0], [1], [0, 0, 1, 1], [], []>, transpose_lhs_hint = false} : vector<4096x32xf32>, vector<32x32xf32>, vector<4096x32xf32> -> vector<4096x32xf32>
    %swap3A = arith.constant 0 : index
    %swap3A_8 = arith.constant 0 : index
    %swap3A_9 = arith.constant 0 : index
    %swap3A_10 = vector.load %arg4[%swap3A, %swap3A_8, %swap3A_9] : memref<1x4096x32xf32, #tpu.memory_space<vmem>>, vector<1x4096x32xf32>
    %swap3A_11 = vector.shape_cast %swap3A_10 : vector<1x4096x32xf32> to vector<4096x32xf32>
    %swap3A_12 = vector.shape_cast %dot_general3A_7 : vector<4096x32xf32> to vector<1x4096x32xf32>
    tpu.vector_store %arg4[%swap3A, %swap3A_8, %swap3A_9], %swap3A_12 {strides = array<i32>} : memref<1x4096x32xf32, #tpu.memory_space<vmem>>, vector<1x4096x32xf32>,
    return
  }
  func.func @transform_0(%arg0: i32, %arg1: i32) -> (i32, i32, i32) {
    %c0_i32 = arith.constant 0 : i32
    %c0_i32_0 = arith.constant 0 : i32
    return %arg0, %arg1, %c0_i32 : i32, i32, i32
  }
  func.func @transform_1(%arg0: i32, %arg1: i32) -> (i32, i32) {
    %c0_i32 = arith.constant 0 : i32
    %c0_i32_0 = arith.constant 0 : i32
    %c0_i32_1 = arith.constant 0 : i32
    return %c0_i32, %c0_i32_0 : i32, i32
  }
  func.func @transform_2(%arg0: i32, %arg1: i32) -> (i32, i32, i32) {
    %c0_i32 = arith.constant 0 : i32
    %c0_i32_0 = arith.constant 0 : i32
    return %arg0, %arg1, %c0_i32 : i32, i32, i32
  }
}

module attributes {stable_mosaic.version = 14 : i64} {
  func.func @_mlp_matmul_kernel(%arg0: i32, %arg1: i32, %arg2: memref<1x4096x32xf32, #tpu.memory_space<vmem>>, %arg3: memref<32x64xf32, #tpu.memory_space<vmem>>, %arg4: memref<1x4096x64xf32, #tpu.memory_space<vmem>>) attributes {dimension_semantics = [#tpu.dimension_semantics<arbitrary>, #tpu.dimension_semantics<arbitrary>], iteration_bounds = array<i64: 8, 8>, scalar_prefetch = 0 : i64, scratch_operands = 0 : i64, tpu.core_type = #tpu.core_type<tc>, window_params = [{transform_indices = @transform_0, window_bounds = array<i64: 1, 4096, 32>}, {pipeline_mode = #tpu.pipeline_mode<synchronous>, transform_indices = @transform_1, window_bounds = array<i64: 32, 64>}, {transform_indices = @transform_2, window_bounds = array<i64: 1, 4096, 64>}]} {
    %get3A = arith.constant 0 : index
    %get3A_0 = arith.constant 0 : index
    %get3A_1 = arith.constant 0 : index
    %get3A_2 = vector.load %arg2[%get3A, %get3A_0, %get3A_1] : memref<1x4096x32xf32, #tpu.memory_space<vmem>>, vector<1x4096x32xf32>
    %get3A_3 = vector.shape_cast %get3A_2 : vector<1x4096x32xf32> to vector<4096x32xf32>
    %get3A_4 = arith.constant 0 : index
    %get3A_5 = arith.constant 0 : index
    %get3A_6 = vector.load %arg3[%get3A_4, %get3A_5] : memref<32x64xf32, #tpu.memory_space<vmem>>, vector<32x64xf32>
    %dot_general3A = arith.constant dense<0.000000e+00> : vector<4096x64xf32>
    %dot_general3A_7 = tpu.matmul %get3A_3, %get3A_6, %dot_general3A {dimension_numbers = #tpu.dot_dimension_numbers<[1], [0], [0], [1], [0, 0, 1, 1], [], []>, transpose_lhs_hint = false} : vector<4096x32xf32>, vector<32x64xf32>, vector<4096x64xf32> -> vector<4096x64xf32>
    %swap3A = arith.constant 0 : index
    %swap3A_8 = arith.constant 0 : index
    %swap3A_9 = arith.constant 0 : index
    %swap3A_10 = vector.load %arg4[%swap3A, %swap3A_8, %swap3A_9] : memref<1x4096x64xf32, #tpu.memory_space<vmem>>, vector<1x4096x64xf32>
    %swap3A_11 = vector.shape_cast %swap3A_10 : vector<1x4096x64xf32> to vector<4096x64xf32>
    %swap3A_12 = vector.shape_cast %dot_general3A_7 : vector<4096x64xf32> to vector<1x4096x64xf32>
    tpu.vector_store %arg4[%swap3A, %swap3A_8, %swap3A_9], %swap3A_12 {strides = array<i32>} : memref<1x4096x64xf32, #tpu.memory_space<vmem>>, vector<1x4096x64xf32>,
    return
  }
  func.func @transform_0(%arg0: i32, %arg1: i32) -> (i32, i32, i32) {
    %c0_i32 = arith.constant 0 : i32
    %c0_i32_0 = arith.constant 0 : i32
    return %arg0, %arg1, %c0_i32 : i32, i32, i32
  }
  func.func @transform_1(%arg0: i32, %arg1: i32) -> (i32, i32) {
    %c0_i32 = arith.constant 0 : i32
    %c0_i32_0 = arith.constant 0 : i32
    %c0_i32_1 = arith.constant 0 : i32
    return %c0_i32, %c0_i32_0 : i32, i32
  }
  func.func @transform_2(%arg0: i32, %arg1: i32) -> (i32, i32, i32) {
    %c0_i32 = arith.constant 0 : i32
    %c0_i32_0 = arith.constant 0 : i32
    return %arg0, %arg1, %c0_i32 : i32, i32, i32
  }
}

module attributes {stable_mosaic.version = 14 : i64} {
  func.func @_mlp_matmul_kernel(%arg0: i32, %arg1: i32, %arg2: memref<1x4096x67xf32, #tpu.memory_space<vmem>>, %arg3: memref<67x64xf32, #tpu.memory_space<vmem>>, %arg4: memref<1x4096x64xf32, #tpu.memory_space<vmem>>) attributes {dimension_semantics = [#tpu.dimension_semantics<arbitrary>, #tpu.dimension_semantics<arbitrary>], iteration_bounds = array<i64: 8, 2>, scalar_prefetch = 0 : i64, scratch_operands = 0 : i64, tpu.core_type = #tpu.core_type<tc>, window_params = [{transform_indices = @transform_0, window_bounds = array<i64: 1, 4096, 67>}, {pipeline_mode = #tpu.pipeline_mode<synchronous>, transform_indices = @transform_1, window_bounds = array<i64: 67, 64>}, {transform_indices = @transform_2, window_bounds = array<i64: 1, 4096, 64>}]} {
    %get3A = arith.constant 0 : index
    %get3A_0 = arith.constant 0 : index
    %get3A_1 = arith.constant 0 : index
    %get3A_2 = vector.load %arg2[%get3A, %get3A_0, %get3A_1] : memref<1x4096x67xf32, #tpu.memory_space<vmem>>, vector<1x4096x67xf32>
    %get3A_3 = vector.shape_cast %get3A_2 : vector<1x4096x67xf32> to vector<4096x67xf32>
    %get3A_4 = arith.constant 0 : index
    %get3A_5 = arith.constant 0 : index
    %get3A_6 = vector.load %arg3[%get3A_4, %get3A_5] : memref<67x64xf32, #tpu.memory_space<vmem>>, vector<67x64xf32>
    %dot_general3A = arith.constant dense<0.000000e+00> : vector<4096x64xf32>
    %dot_general3A_7 = tpu.matmul %get3A_3, %get3A_6, %dot_general3A {dimension_numbers = #tpu.dot_dimension_numbers<[1], [0], [0], [1], [0, 0, 1, 1], [], []>, transpose_lhs_hint = false} : vector<4096x67xf32>, vector<67x64xf32>, vector<4096x64xf32> -> vector<4096x64xf32>
    %swap3A = arith.constant 0 : index
    %swap3A_8 = arith.constant 0 : index
    %swap3A_9 = arith.constant 0 : index
    %swap3A_10 = vector.load %arg4[%swap3A, %swap3A_8, %swap3A_9] : memref<1x4096x64xf32, #tpu.memory_space<vmem>>, vector<1x4096x64xf32>
    %swap3A_11 = vector.shape_cast %swap3A_10 : vector<1x4096x64xf32> to vector<4096x64xf32>
    %swap3A_12 = vector.shape_cast %dot_general3A_7 : vector<4096x64xf32> to vector<1x4096x64xf32>
    tpu.vector_store %arg4[%swap3A, %swap3A_8, %swap3A_9], %swap3A_12 {strides = array<i32>} : memref<1x4096x64xf32, #tpu.memory_space<vmem>>, vector<1x4096x64xf32>,
    return
  }
  func.func @transform_0(%arg0: i32, %arg1: i32) -> (i32, i32, i32) {
    %c0_i32 = arith.constant 0 : i32
    %c0_i32_0 = arith.constant 0 : i32
    return %arg0, %arg1, %c0_i32 : i32, i32, i32
  }
  func.func @transform_1(%arg0: i32, %arg1: i32) -> (i32, i32) {
    %c0_i32 = arith.constant 0 : i32
    %c0_i32_0 = arith.constant 0 : i32
    %c0_i32_1 = arith.constant 0 : i32
    return %c0_i32, %c0_i32_0 : i32, i32
  }
  func.func @transform_2(%arg0: i32, %arg1: i32) -> (i32, i32, i32) {
    %c0_i32 = arith.constant 0 : i32
    %c0_i32_0 = arith.constant 0 : i32
    return %arg0, %arg1, %c0_i32 : i32, i32, i32
  }
}

module attributes {stable_mosaic.version = 14 : i64} {
  func.func @_mlp_matmul_kernel(%arg0: i32, %arg1: i32, %arg2: memref<1x4096x64xf32, #tpu.memory_space<vmem>>, %arg3: memref<64x64xf32, #tpu.memory_space<vmem>>, %arg4: memref<1x4096x64xf32, #tpu.memory_space<vmem>>) attributes {dimension_semantics = [#tpu.dimension_semantics<arbitrary>, #tpu.dimension_semantics<arbitrary>], iteration_bounds = array<i64: 8, 2>, scalar_prefetch = 0 : i64, scratch_operands = 0 : i64, tpu.core_type = #tpu.core_type<tc>, window_params = [{transform_indices = @transform_0, window_bounds = array<i64: 1, 4096, 64>}, {pipeline_mode = #tpu.pipeline_mode<synchronous>, transform_indices = @transform_1, window_bounds = array<i64: 64, 64>}, {transform_indices = @transform_2, window_bounds = array<i64: 1, 4096, 64>}]} {
    %get3A = arith.constant 0 : index
    %get3A_0 = arith.constant 0 : index
    %get3A_1 = arith.constant 0 : index
    %get3A_2 = vector.load %arg2[%get3A, %get3A_0, %get3A_1] : memref<1x4096x64xf32, #tpu.memory_space<vmem>>, vector<1x4096x64xf32>
    %get3A_3 = vector.shape_cast %get3A_2 : vector<1x4096x64xf32> to vector<4096x64xf32>
    %get3A_4 = arith.constant 0 : index
    %get3A_5 = arith.constant 0 : index
    %get3A_6 = vector.load %arg3[%get3A_4, %get3A_5] : memref<64x64xf32, #tpu.memory_space<vmem>>, vector<64x64xf32>
    %dot_general3A = arith.constant dense<0.000000e+00> : vector<4096x64xf32>
    %dot_general3A_7 = tpu.matmul %get3A_3, %get3A_6, %dot_general3A {dimension_numbers = #tpu.dot_dimension_numbers<[1], [0], [0], [1], [0, 0, 1, 1], [], []>, transpose_lhs_hint = false} : vector<4096x64xf32>, vector<64x64xf32>, vector<4096x64xf32> -> vector<4096x64xf32>
    %swap3A = arith.constant 0 : index
    %swap3A_8 = arith.constant 0 : index
    %swap3A_9 = arith.constant 0 : index
    %swap3A_10 = vector.load %arg4[%swap3A, %swap3A_8, %swap3A_9] : memref<1x4096x64xf32, #tpu.memory_space<vmem>>, vector<1x4096x64xf32>
    %swap3A_11 = vector.shape_cast %swap3A_10 : vector<1x4096x64xf32> to vector<4096x64xf32>
    %swap3A_12 = vector.shape_cast %dot_general3A_7 : vector<4096x64xf32> to vector<1x4096x64xf32>
    tpu.vector_store %arg4[%swap3A, %swap3A_8, %swap3A_9], %swap3A_12 {strides = array<i32>} : memref<1x4096x64xf32, #tpu.memory_space<vmem>>, vector<1x4096x64xf32>,
    return
  }
  func.func @transform_0(%arg0: i32, %arg1: i32) -> (i32, i32, i32) {
    %c0_i32 = arith.constant 0 : i32
    %c0_i32_0 = arith.constant 0 : i32
    return %arg0, %arg1, %c0_i32 : i32, i32, i32
  }
  func.func @transform_1(%arg0: i32, %arg1: i32) -> (i32, i32) {
    %c0_i32 = arith.constant 0 : i32
    %c0_i32_0 = arith.constant 0 : i32
    %c0_i32_1 = arith.constant 0 : i32
    return %c0_i32, %c0_i32_0 : i32, i32
  }
  func.func @transform_2(%arg0: i32, %arg1: i32) -> (i32, i32, i32) {
    %c0_i32 = arith.constant 0 : i32
    %c0_i32_0 = arith.constant 0 : i32
    return %arg0, %arg1, %c0_i32 : i32, i32, i32
  }
}

module attributes {stable_mosaic.version = 14 : i64} {
  func.func @_mlp_matmul_kernel(%arg0: i32, %arg1: i32, %arg2: memref<1x4096x64xf32, #tpu.memory_space<vmem>>, %arg3: memref<64x128xf32, #tpu.memory_space<vmem>>, %arg4: memref<1x4096x128xf32, #tpu.memory_space<vmem>>) attributes {dimension_semantics = [#tpu.dimension_semantics<arbitrary>, #tpu.dimension_semantics<arbitrary>], iteration_bounds = array<i64: 8, 2>, scalar_prefetch = 0 : i64, scratch_operands = 0 : i64, tpu.core_type = #tpu.core_type<tc>, window_params = [{transform_indices = @transform_0, window_bounds = array<i64: 1, 4096, 64>}, {pipeline_mode = #tpu.pipeline_mode<synchronous>, transform_indices = @transform_1, window_bounds = array<i64: 64, 128>}, {transform_indices = @transform_2, window_bounds = array<i64: 1, 4096, 128>}]} {
    %get3A = arith.constant 0 : index
    %get3A_0 = arith.constant 0 : index
    %get3A_1 = arith.constant 0 : index
    %get3A_2 = vector.load %arg2[%get3A, %get3A_0, %get3A_1] : memref<1x4096x64xf32, #tpu.memory_space<vmem>>, vector<1x4096x64xf32>
    %get3A_3 = vector.shape_cast %get3A_2 : vector<1x4096x64xf32> to vector<4096x64xf32>
    %get3A_4 = arith.constant 0 : index
    %get3A_5 = arith.constant 0 : index
    %get3A_6 = vector.load %arg3[%get3A_4, %get3A_5] : memref<64x128xf32, #tpu.memory_space<vmem>>, vector<64x128xf32>
    %dot_general3A = arith.constant dense<0.000000e+00> : vector<4096x128xf32>
    %dot_general3A_7 = tpu.matmul %get3A_3, %get3A_6, %dot_general3A {dimension_numbers = #tpu.dot_dimension_numbers<[1], [0], [0], [1], [0, 0, 1, 1], [], []>, transpose_lhs_hint = false} : vector<4096x64xf32>, vector<64x128xf32>, vector<4096x128xf32> -> vector<4096x128xf32>
    %swap3A = arith.constant 0 : index
    %swap3A_8 = arith.constant 0 : index
    %swap3A_9 = arith.constant 0 : index
    %swap3A_10 = vector.load %arg4[%swap3A, %swap3A_8, %swap3A_9] : memref<1x4096x128xf32, #tpu.memory_space<vmem>>, vector<1x4096x128xf32>
    %swap3A_11 = vector.shape_cast %swap3A_10 : vector<1x4096x128xf32> to vector<4096x128xf32>
    %swap3A_12 = vector.shape_cast %dot_general3A_7 : vector<4096x128xf32> to vector<1x4096x128xf32>
    tpu.vector_store %arg4[%swap3A, %swap3A_8, %swap3A_9], %swap3A_12 {strides = array<i32>} : memref<1x4096x128xf32, #tpu.memory_space<vmem>>, vector<1x4096x128xf32>,
    return
  }
  func.func @transform_0(%arg0: i32, %arg1: i32) -> (i32, i32, i32) {
    %c0_i32 = arith.constant 0 : i32
    %c0_i32_0 = arith.constant 0 : i32
    return %arg0, %arg1, %c0_i32 : i32, i32, i32
  }
  func.func @transform_1(%arg0: i32, %arg1: i32) -> (i32, i32) {
    %c0_i32 = arith.constant 0 : i32
    %c0_i32_0 = arith.constant 0 : i32
    %c0_i32_1 = arith.constant 0 : i32
    return %c0_i32, %c0_i32_0 : i32, i32
  }
  func.func @transform_2(%arg0: i32, %arg1: i32) -> (i32, i32, i32) {
    %c0_i32 = arith.constant 0 : i32
    %c0_i32_0 = arith.constant 0 : i32
    return %arg0, %arg1, %c0_i32 : i32, i32, i32
  }
}

module attributes {stable_mosaic.version = 14 : i64} {
  func.func @_mlp_matmul_kernel(%arg0: i32, %arg1: i32, %arg2: memref<1x2048x131xf32, #tpu.memory_space<vmem>>, %arg3: memref<131x128xf32, #tpu.memory_space<vmem>>, %arg4: memref<1x2048x128xf32, #tpu.memory_space<vmem>>) attributes {dimension_semantics = [#tpu.dimension_semantics<arbitrary>, #tpu.dimension_semantics<arbitrary>], iteration_bounds = array<i64: 8, 1>, scalar_prefetch = 0 : i64, scratch_operands = 0 : i64, tpu.core_type = #tpu.core_type<tc>, window_params = [{transform_indices = @transform_0, window_bounds = array<i64: 1, 2048, 131>}, {pipeline_mode = #tpu.pipeline_mode<synchronous>, transform_indices = @transform_1, window_bounds = array<i64: 131, 128>}, {transform_indices = @transform_2, window_bounds = array<i64: 1, 2048, 128>}]} {
    %get3A = arith.constant 0 : index
    %get3A_0 = arith.constant 0 : index
    %get3A_1 = arith.constant 0 : index
    %get3A_2 = vector.load %arg2[%get3A, %get3A_0, %get3A_1] : memref<1x2048x131xf32, #tpu.memory_space<vmem>>, vector<1x2048x131xf32>
    %get3A_3 = vector.shape_cast %get3A_2 : vector<1x2048x131xf32> to vector<2048x131xf32>
    %get3A_4 = arith.constant 0 : index
    %get3A_5 = arith.constant 0 : index
    %get3A_6 = vector.load %arg3[%get3A_4, %get3A_5] : memref<131x128xf32, #tpu.memory_space<vmem>>, vector<131x128xf32>
    %dot_general3A = arith.constant dense<0.000000e+00> : vector<2048x128xf32>
    %dot_general3A_7 = tpu.matmul %get3A_3, %get3A_6, %dot_general3A {dimension_numbers = #tpu.dot_dimension_numbers<[1], [0], [0], [1], [0, 0, 1, 1], [], []>, transpose_lhs_hint = false} : vector<2048x131xf32>, vector<131x128xf32>, vector<2048x128xf32> -> vector<2048x128xf32>
    %swap3A = arith.constant 0 : index
    %swap3A_8 = arith.constant 0 : index
    %swap3A_9 = arith.constant 0 : index
    %swap3A_10 = vector.load %arg4[%swap3A, %swap3A_8, %swap3A_9] : memref<1x2048x128xf32, #tpu.memory_space<vmem>>, vector<1x2048x128xf32>
    %swap3A_11 = vector.shape_cast %swap3A_10 : vector<1x2048x128xf32> to vector<2048x128xf32>
    %swap3A_12 = vector.shape_cast %dot_general3A_7 : vector<2048x128xf32> to vector<1x2048x128xf32>
    tpu.vector_store %arg4[%swap3A, %swap3A_8, %swap3A_9], %swap3A_12 {strides = array<i32>} : memref<1x2048x128xf32, #tpu.memory_space<vmem>>, vector<1x2048x128xf32>,
    return
  }
  func.func @transform_0(%arg0: i32, %arg1: i32) -> (i32, i32, i32) {
    %c0_i32 = arith.constant 0 : i32
    %c0_i32_0 = arith.constant 0 : i32
    return %arg0, %arg1, %c0_i32 : i32, i32, i32
  }
  func.func @transform_1(%arg0: i32, %arg1: i32) -> (i32, i32) {
    %c0_i32 = arith.constant 0 : i32
    %c0_i32_0 = arith.constant 0 : i32
    %c0_i32_1 = arith.constant 0 : i32
    return %c0_i32, %c0_i32_0 : i32, i32
  }
  func.func @transform_2(%arg0: i32, %arg1: i32) -> (i32, i32, i32) {
    %c0_i32 = arith.constant 0 : i32
    %c0_i32_0 = arith.constant 0 : i32
    return %arg0, %arg1, %c0_i32 : i32, i32, i32
  }
}

module attributes {stable_mosaic.version = 14 : i64} {
  func.func @_mlp_matmul_kernel(%arg0: i32, %arg1: i32, %arg2: memref<1x2048x128xf32, #tpu.memory_space<vmem>>, %arg3: memref<128x128xf32, #tpu.memory_space<vmem>>, %arg4: memref<1x2048x128xf32, #tpu.memory_space<vmem>>) attributes {dimension_semantics = [#tpu.dimension_semantics<arbitrary>, #tpu.dimension_semantics<arbitrary>], iteration_bounds = array<i64: 8, 1>, scalar_prefetch = 0 : i64, scratch_operands = 0 : i64, tpu.core_type = #tpu.core_type<tc>, window_params = [{transform_indices = @transform_0, window_bounds = array<i64: 1, 2048, 128>}, {pipeline_mode = #tpu.pipeline_mode<synchronous>, transform_indices = @transform_1, window_bounds = array<i64: 128, 128>}, {transform_indices = @transform_2, window_bounds = array<i64: 1, 2048, 128>}]} {
    %get3A = arith.constant 0 : index
    %get3A_0 = arith.constant 0 : index
    %get3A_1 = arith.constant 0 : index
    %get3A_2 = vector.load %arg2[%get3A, %get3A_0, %get3A_1] : memref<1x2048x128xf32, #tpu.memory_space<vmem>>, vector<1x2048x128xf32>
    %get3A_3 = vector.shape_cast %get3A_2 : vector<1x2048x128xf32> to vector<2048x128xf32>
    %get3A_4 = arith.constant 0 : index
    %get3A_5 = arith.constant 0 : index
    %get3A_6 = vector.load %arg3[%get3A_4, %get3A_5] : memref<128x128xf32, #tpu.memory_space<vmem>>, vector<128x128xf32>
    %dot_general3A = arith.constant dense<0.000000e+00> : vector<2048x128xf32>
    %dot_general3A_7 = tpu.matmul %get3A_3, %get3A_6, %dot_general3A {dimension_numbers = #tpu.dot_dimension_numbers<[1], [0], [0], [1], [0, 0, 1, 1], [], []>, transpose_lhs_hint = false} : vector<2048x128xf32>, vector<128x128xf32>, vector<2048x128xf32> -> vector<2048x128xf32>
    %swap3A = arith.constant 0 : index
    %swap3A_8 = arith.constant 0 : index
    %swap3A_9 = arith.constant 0 : index
    %swap3A_10 = vector.load %arg4[%swap3A, %swap3A_8, %swap3A_9] : memref<1x2048x128xf32, #tpu.memory_space<vmem>>, vector<1x2048x128xf32>
    %swap3A_11 = vector.shape_cast %swap3A_10 : vector<1x2048x128xf32> to vector<2048x128xf32>
    %swap3A_12 = vector.shape_cast %dot_general3A_7 : vector<2048x128xf32> to vector<1x2048x128xf32>
    tpu.vector_store %arg4[%swap3A, %swap3A_8, %swap3A_9], %swap3A_12 {strides = array<i32>} : memref<1x2048x128xf32, #tpu.memory_space<vmem>>, vector<1x2048x128xf32>,
    return
  }
  func.func @transform_0(%arg0: i32, %arg1: i32) -> (i32, i32, i32) {
    %c0_i32 = arith.constant 0 : i32
    %c0_i32_0 = arith.constant 0 : i32
    return %arg0, %arg1, %c0_i32 : i32, i32, i32
  }
  func.func @transform_1(%arg0: i32, %arg1: i32) -> (i32, i32) {
    %c0_i32 = arith.constant 0 : i32
    %c0_i32_0 = arith.constant 0 : i32
    %c0_i32_1 = arith.constant 0 : i32
    return %c0_i32, %c0_i32_0 : i32, i32
  }
  func.func @transform_2(%arg0: i32, %arg1: i32) -> (i32, i32, i32) {
    %c0_i32 = arith.constant 0 : i32
    %c0_i32_0 = arith.constant 0 : i32
    return %arg0, %arg1, %c0_i32 : i32, i32, i32
  }
}

module attributes {stable_mosaic.version = 14 : i64} {
  func.func @_mlp_matmul_kernel(%arg0: i32, %arg1: i32, %arg2: memref<1x2048x128xf32, #tpu.memory_space<vmem>>, %arg3: memref<128x256xf32, #tpu.memory_space<vmem>>, %arg4: memref<1x2048x256xf32, #tpu.memory_space<vmem>>) attributes {dimension_semantics = [#tpu.dimension_semantics<arbitrary>, #tpu.dimension_semantics<arbitrary>], iteration_bounds = array<i64: 8, 1>, scalar_prefetch = 0 : i64, scratch_operands = 0 : i64, tpu.core_type = #tpu.core_type<tc>, window_params = [{transform_indices = @transform_0, window_bounds = array<i64: 1, 2048, 128>}, {pipeline_mode = #tpu.pipeline_mode<synchronous>, transform_indices = @transform_1, window_bounds = array<i64: 128, 256>}, {transform_indices = @transform_2, window_bounds = array<i64: 1, 2048, 256>}]} {
    %get3A = arith.constant 0 : index
    %get3A_0 = arith.constant 0 : index
    %get3A_1 = arith.constant 0 : index
    %get3A_2 = vector.load %arg2[%get3A, %get3A_0, %get3A_1] : memref<1x2048x128xf32, #tpu.memory_space<vmem>>, vector<1x2048x128xf32>
    %get3A_3 = vector.shape_cast %get3A_2 : vector<1x2048x128xf32> to vector<2048x128xf32>
    %get3A_4 = arith.constant 0 : index
    %get3A_5 = arith.constant 0 : index
    %get3A_6 = vector.load %arg3[%get3A_4, %get3A_5] : memref<128x256xf32, #tpu.memory_space<vmem>>, vector<128x256xf32>
    %dot_general3A = arith.constant dense<0.000000e+00> : vector<2048x256xf32>
    %dot_general3A_7 = tpu.matmul %get3A_3, %get3A_6, %dot_general3A {dimension_numbers = #tpu.dot_dimension_numbers<[1], [0], [0], [1], [0, 0, 1, 1], [], []>, transpose_lhs_hint = false} : vector<2048x128xf32>, vector<128x256xf32>, vector<2048x256xf32> -> vector<2048x256xf32>
    %swap3A = arith.constant 0 : index
    %swap3A_8 = arith.constant 0 : index
    %swap3A_9 = arith.constant 0 : index
    %swap3A_10 = vector.load %arg4[%swap3A, %swap3A_8, %swap3A_9] : memref<1x2048x256xf32, #tpu.memory_space<vmem>>, vector<1x2048x256xf32>
    %swap3A_11 = vector.shape_cast %swap3A_10 : vector<1x2048x256xf32> to vector<2048x256xf32>
    %swap3A_12 = vector.shape_cast %dot_general3A_7 : vector<2048x256xf32> to vector<1x2048x256xf32>
    tpu.vector_store %arg4[%swap3A, %swap3A_8, %swap3A_9], %swap3A_12 {strides = array<i32>} : memref<1x2048x256xf32, #tpu.memory_space<vmem>>, vector<1x2048x256xf32>,
    return
  }
  func.func @transform_0(%arg0: i32, %arg1: i32) -> (i32, i32, i32) {
    %c0_i32 = arith.constant 0 : i32
    %c0_i32_0 = arith.constant 0 : i32
    return %arg0, %arg1, %c0_i32 : i32, i32, i32
  }
  func.func @transform_1(%arg0: i32, %arg1: i32) -> (i32, i32) {
    %c0_i32 = arith.constant 0 : i32
    %c0_i32_0 = arith.constant 0 : i32
    %c0_i32_1 = arith.constant 0 : i32
    return %c0_i32, %c0_i32_0 : i32, i32
  }
  func.func @transform_2(%arg0: i32, %arg1: i32) -> (i32, i32, i32) {
    %c0_i32 = arith.constant 0 : i32
    %c0_i32_0 = arith.constant 0 : i32
    return %arg0, %arg1, %c0_i32 : i32, i32, i32
  }
}

module attributes {stable_mosaic.version = 14 : i64} {
  func.func @_mlp_matmul_kernel(%arg0: i32, %arg1: i32, %arg2: memref<1x512x259xf32, #tpu.memory_space<vmem>>, %arg3: memref<259x256xf32, #tpu.memory_space<vmem>>, %arg4: memref<1x512x256xf32, #tpu.memory_space<vmem>>) attributes {dimension_semantics = [#tpu.dimension_semantics<arbitrary>, #tpu.dimension_semantics<arbitrary>], iteration_bounds = array<i64: 8, 1>, scalar_prefetch = 0 : i64, scratch_operands = 0 : i64, tpu.core_type = #tpu.core_type<tc>, window_params = [{transform_indices = @transform_0, window_bounds = array<i64: 1, 512, 259>}, {pipeline_mode = #tpu.pipeline_mode<synchronous>, transform_indices = @transform_1, window_bounds = array<i64: 259, 256>}, {transform_indices = @transform_2, window_bounds = array<i64: 1, 512, 256>}]} {
    %get3A = arith.constant 0 : index
    %get3A_0 = arith.constant 0 : index
    %get3A_1 = arith.constant 0 : index
    %get3A_2 = vector.load %arg2[%get3A, %get3A_0, %get3A_1] : memref<1x512x259xf32, #tpu.memory_space<vmem>>, vector<1x512x259xf32>
    %get3A_3 = vector.shape_cast %get3A_2 : vector<1x512x259xf32> to vector<512x259xf32>
    %get3A_4 = arith.constant 0 : index
    %get3A_5 = arith.constant 0 : index
    %get3A_6 = vector.load %arg3[%get3A_4, %get3A_5] : memref<259x256xf32, #tpu.memory_space<vmem>>, vector<259x256xf32>
    %dot_general3A = arith.constant dense<0.000000e+00> : vector<512x256xf32>
    %dot_general3A_7 = tpu.matmul %get3A_3, %get3A_6, %dot_general3A {dimension_numbers = #tpu.dot_dimension_numbers<[1], [0], [0], [1], [0, 0, 1, 1], [], []>, transpose_lhs_hint = false} : vector<512x259xf32>, vector<259x256xf32>, vector<512x256xf32> -> vector<512x256xf32>
    %swap3A = arith.constant 0 : index
    %swap3A_8 = arith.constant 0 : index
    %swap3A_9 = arith.constant 0 : index
    %swap3A_10 = vector.load %arg4[%swap3A, %swap3A_8, %swap3A_9] : memref<1x512x256xf32, #tpu.memory_space<vmem>>, vector<1x512x256xf32>
    %swap3A_11 = vector.shape_cast %swap3A_10 : vector<1x512x256xf32> to vector<512x256xf32>
    %swap3A_12 = vector.shape_cast %dot_general3A_7 : vector<512x256xf32> to vector<1x512x256xf32>
    tpu.vector_store %arg4[%swap3A, %swap3A_8, %swap3A_9], %swap3A_12 {strides = array<i32>} : memref<1x512x256xf32, #tpu.memory_space<vmem>>, vector<1x512x256xf32>,
    return
  }
  func.func @transform_0(%arg0: i32, %arg1: i32) -> (i32, i32, i32) {
    %c0_i32 = arith.constant 0 : i32
    %c0_i32_0 = arith.constant 0 : i32
    return %arg0, %arg1, %c0_i32 : i32, i32, i32
  }
  func.func @transform_1(%arg0: i32, %arg1: i32) -> (i32, i32) {
    %c0_i32 = arith.constant 0 : i32
    %c0_i32_0 = arith.constant 0 : i32
    %c0_i32_1 = arith.constant 0 : i32
    return %c0_i32, %c0_i32_0 : i32, i32
  }
  func.func @transform_2(%arg0: i32, %arg1: i32) -> (i32, i32, i32) {
    %c0_i32 = arith.constant 0 : i32
    %c0_i32_0 = arith.constant 0 : i32
    return %arg0, %arg1, %c0_i32 : i32, i32, i32
  }
}

module attributes {stable_mosaic.version = 14 : i64} {
  func.func @_mlp_matmul_kernel(%arg0: i32, %arg1: i32, %arg2: memref<1x512x256xf32, #tpu.memory_space<vmem>>, %arg3: memref<256x256xf32, #tpu.memory_space<vmem>>, %arg4: memref<1x512x256xf32, #tpu.memory_space<vmem>>) attributes {dimension_semantics = [#tpu.dimension_semantics<arbitrary>, #tpu.dimension_semantics<arbitrary>], iteration_bounds = array<i64: 8, 1>, scalar_prefetch = 0 : i64, scratch_operands = 0 : i64, tpu.core_type = #tpu.core_type<tc>, window_params = [{transform_indices = @transform_0, window_bounds = array<i64: 1, 512, 256>}, {pipeline_mode = #tpu.pipeline_mode<synchronous>, transform_indices = @transform_1, window_bounds = array<i64: 256, 256>}, {transform_indices = @transform_2, window_bounds = array<i64: 1, 512, 256>}]} {
    %get3A = arith.constant 0 : index
    %get3A_0 = arith.constant 0 : index
    %get3A_1 = arith.constant 0 : index
    %get3A_2 = vector.load %arg2[%get3A, %get3A_0, %get3A_1] : memref<1x512x256xf32, #tpu.memory_space<vmem>>, vector<1x512x256xf32>
    %get3A_3 = vector.shape_cast %get3A_2 : vector<1x512x256xf32> to vector<512x256xf32>
    %get3A_4 = arith.constant 0 : index
    %get3A_5 = arith.constant 0 : index
    %get3A_6 = vector.load %arg3[%get3A_4, %get3A_5] : memref<256x256xf32, #tpu.memory_space<vmem>>, vector<256x256xf32>
    %dot_general3A = arith.constant dense<0.000000e+00> : vector<512x256xf32>
    %dot_general3A_7 = tpu.matmul %get3A_3, %get3A_6, %dot_general3A {dimension_numbers = #tpu.dot_dimension_numbers<[1], [0], [0], [1], [0, 0, 1, 1], [], []>, transpose_lhs_hint = false} : vector<512x256xf32>, vector<256x256xf32>, vector<512x256xf32> -> vector<512x256xf32>
    %swap3A = arith.constant 0 : index
    %swap3A_8 = arith.constant 0 : index
    %swap3A_9 = arith.constant 0 : index
    %swap3A_10 = vector.load %arg4[%swap3A, %swap3A_8, %swap3A_9] : memref<1x512x256xf32, #tpu.memory_space<vmem>>, vector<1x512x256xf32>
    %swap3A_11 = vector.shape_cast %swap3A_10 : vector<1x512x256xf32> to vector<512x256xf32>
    %swap3A_12 = vector.shape_cast %dot_general3A_7 : vector<512x256xf32> to vector<1x512x256xf32>
    tpu.vector_store %arg4[%swap3A, %swap3A_8, %swap3A_9], %swap3A_12 {strides = array<i32>} : memref<1x512x256xf32, #tpu.memory_space<vmem>>, vector<1x512x256xf32>,
    return
  }
  func.func @transform_0(%arg0: i32, %arg1: i32) -> (i32, i32, i32) {
    %c0_i32 = arith.constant 0 : i32
    %c0_i32_0 = arith.constant 0 : i32
    return %arg0, %arg1, %c0_i32 : i32, i32, i32
  }
  func.func @transform_1(%arg0: i32, %arg1: i32) -> (i32, i32) {
    %c0_i32 = arith.constant 0 : i32
    %c0_i32_0 = arith.constant 0 : i32
    %c0_i32_1 = arith.constant 0 : i32
    return %c0_i32, %c0_i32_0 : i32, i32
  }
  func.func @transform_2(%arg0: i32, %arg1: i32) -> (i32, i32, i32) {
    %c0_i32 = arith.constant 0 : i32
    %c0_i32_0 = arith.constant 0 : i32
    return %arg0, %arg1, %c0_i32 : i32, i32, i32
  }
}

module attributes {stable_mosaic.version = 14 : i64} {
  func.func @_mlp_matmul_kernel(%arg0: i32, %arg1: i32, %arg2: memref<1x512x256xf32, #tpu.memory_space<vmem>>, %arg3: memref<256x512xf32, #tpu.memory_space<vmem>>, %arg4: memref<1x512x512xf32, #tpu.memory_space<vmem>>) attributes {dimension_semantics = [#tpu.dimension_semantics<arbitrary>, #tpu.dimension_semantics<arbitrary>], iteration_bounds = array<i64: 8, 1>, scalar_prefetch = 0 : i64, scratch_operands = 0 : i64, tpu.core_type = #tpu.core_type<tc>, window_params = [{transform_indices = @transform_0, window_bounds = array<i64: 1, 512, 256>}, {pipeline_mode = #tpu.pipeline_mode<synchronous>, transform_indices = @transform_1, window_bounds = array<i64: 256, 512>}, {transform_indices = @transform_2, window_bounds = array<i64: 1, 512, 512>}]} {
    %get3A = arith.constant 0 : index
    %get3A_0 = arith.constant 0 : index
    %get3A_1 = arith.constant 0 : index
    %get3A_2 = vector.load %arg2[%get3A, %get3A_0, %get3A_1] : memref<1x512x256xf32, #tpu.memory_space<vmem>>, vector<1x512x256xf32>
    %get3A_3 = vector.shape_cast %get3A_2 : vector<1x512x256xf32> to vector<512x256xf32>
    %get3A_4 = arith.constant 0 : index
    %get3A_5 = arith.constant 0 : index
    %get3A_6 = vector.load %arg3[%get3A_4, %get3A_5] : memref<256x512xf32, #tpu.memory_space<vmem>>, vector<256x512xf32>
    %dot_general3A = arith.constant dense<0.000000e+00> : vector<512x512xf32>
    %dot_general3A_7 = tpu.matmul %get3A_3, %get3A_6, %dot_general3A {dimension_numbers = #tpu.dot_dimension_numbers<[1], [0], [0], [1], [0, 0, 1, 1], [], []>, transpose_lhs_hint = false} : vector<512x256xf32>, vector<256x512xf32>, vector<512x512xf32> -> vector<512x512xf32>
    %swap3A = arith.constant 0 : index
    %swap3A_8 = arith.constant 0 : index
    %swap3A_9 = arith.constant 0 : index
    %swap3A_10 = vector.load %arg4[%swap3A, %swap3A_8, %swap3A_9] : memref<1x512x512xf32, #tpu.memory_space<vmem>>, vector<1x512x512xf32>
    %swap3A_11 = vector.shape_cast %swap3A_10 : vector<1x512x512xf32> to vector<512x512xf32>
    %swap3A_12 = vector.shape_cast %dot_general3A_7 : vector<512x512xf32> to vector<1x512x512xf32>
    tpu.vector_store %arg4[%swap3A, %swap3A_8, %swap3A_9], %swap3A_12 {strides = array<i32>} : memref<1x512x512xf32, #tpu.memory_space<vmem>>, vector<1x512x512xf32>,
    return
  }
  func.func @transform_0(%arg0: i32, %arg1: i32) -> (i32, i32, i32) {
    %c0_i32 = arith.constant 0 : i32
    %c0_i32_0 = arith.constant 0 : i32
    return %arg0, %arg1, %c0_i32 : i32, i32, i32
  }
  func.func @transform_1(%arg0: i32, %arg1: i32) -> (i32, i32) {
    %c0_i32 = arith.constant 0 : i32
    %c0_i32_0 = arith.constant 0 : i32
    %c0_i32_1 = arith.constant 0 : i32
    return %c0_i32, %c0_i32_0 : i32, i32
  }
  func.func @transform_2(%arg0: i32, %arg1: i32) -> (i32, i32, i32) {
    %c0_i32 = arith.constant 0 : i32
    %c0_i32_0 = arith.constant 0 : i32
    return %arg0, %arg1, %c0_i32 : i32, i32, i32
  }
}

</mosaic_0001>

<sc_bundles>
// kernel: gather_offload_async_start.1
scs
__scs_entry_jumppad:
0x0: {  	(pc) =	sbr.rel $0x88, $3  }
0x1: {  	(tag) =	ssettag $0x0;
	lr =	simm.s32 $0x1  }
0x2: {  	[smem:$0x3F70] =	sst lr;
	_ =	strace $0xD0000000  }
0x3: {  	_ = 	snop  }
0x4: {  	_ = 	snop  }
0x5: {  	_ = 	snop  }
0x6: {  	_ = 	snop  }
0x7: {  	_ = 	snop  }
__scs_overlays_trampoline_lowered:
0x8: {  	[smem:$0x3F7F] =	sst s0  }
0x9: {  	[smem:$0x3F80] =	sst s1  }
0xa: {  	[smem:$0x3F81] =	sst s2  }
0xb: {  	[smem:$0x3F82] =	sst s3  }
0xc: {  	[smem:$0x3F83] =	sst s4  }
0xd: {  	[smem:$0x3F84] =	sst s5  }
0xe: {  	[smem:$0x3F85] =	sst s6  }
0xf: {  	[smem:$0x3F86] =	sst s7  }
0x10: {  	[smem:$0x3F87] =	sst s8  }
0x11: {  	[smem:$0x3F88] =	sst s9;
	s0 =	simm.s32 @!p0 $0x0  }
0x12: {  	s1 =	sld [smem:$0x3F6E];
	s0 =	simm.s32 @p0 $0x1  }
0x13: {  	[smem:$0x3F89] =	sst s0;
	s0 =	simm.s32 @!p1 $0x0  }
0x14: {  	s2 =	sld [smem:$0x3F6D];
	s0 =	simm.s32 @p1 $0x1  }
0x15: {  	[smem:$0x3F8A] =	sst s0;
	s0 =	simm.s32 @!p2 $0x0  }
0x16: {  	s3 =	sld [smem:$0x3FDB];
	s0 =	simm.s32 @p2 $0x1  }
0x17: {  	s4 =	simm.s32 $0x1BF5;
	[smem:$0x3F8C] =	sst s0  }
0x18: {  	s0 =	sld [smem:$0x3F6F];
	_ =	swait.ge [sflag:s4], $0x0  }
0x19: {  	s7 =	sld [smem:$0x3F70]  }
0x1a: {  	s8 =	sadd.s32 $0xFFFFE003, lr  }
0x1b: {  	s9 =	sadd.s32 $0xFFFFFEF7, lr;
	s5 =	simm.s32 $0xFFFFFFFF;
	p2 =	slt.u32 s8, $0xFFFFF086  }
0x1c: {  	p1 =	slt.u32 s9, $0xF7A;
	s5 =	simm.s32 @!p2 $0x0  }
0x1d: {  	s5 =	simm.s32 @p1 $0x1;
	p0 =	seq.s32 s7, s2  }
0x1e: {  	s7 =	smul.u32 @!p0 $0xF7A, s2;
	p2 =	seq.s32 @!p0 s5, $0x0  }
0x1f: {  	s9 =	smul.u32 $0xF7A, s1;
	s8 =	simm.s32 @!p0 $0x1BF5;
	p2 =	por !p2, p0  }
0x20: {  	[sflag:s8] =	ssyncset.s32 @!p0 $0xFFFFF086;
	s6 =	sadd.s32 @!p0 s3, s7;
	s7 =	simm.s32 @!p0 $0x108  }
0x21: {  	s3 =	sadd.s32 s3, s9;
	s6 =	sadd.s32 @!p0 $0x88, s6;
	s7 =	simm.s32 @p2 $0x1082  }
0x22: {  	[simem:s7], [sflag:s8] =	dma.local @!p0 [hbm:s6], $0xF7A  }
0x23: {  	s9 =	sor.u32 $0xD0000000, s2;
	s6 =	simm.s32 $0x108;
	_ =	swait.ge @!p0 [sflag:s8], $0x0  }
0x24: {  	s3 =	sadd.s32 $0x88, s3;
	s6 =	simm.s32 @!p1 $0x1082;
	[sflag:s4] =	ssyncset.s32 $0xFFFFF086  }
0x25: {  	[simem:s6], [sflag:s4] =	dma.local [hbm:s3], $0xF7A  }
0x26: {  	[smem:$0x3F70] =	sst s1;
	(tag) =	ssettag s2;
	_ =	strace s9  }
0x27: {  	s1 =	sld [smem:$0x3F80]  }
0x28: {  	s2 =	sld [smem:$0x3F81]  }
0x29: {  	s4 =	sld [smem:$0x3F83]  }
0x2a: {  	p0 =	seq.s32 s5, $0x0;
	s5 =	sld [smem:$0x3F84]  }
0x2b: {  	s6 =	sld [smem:$0x3F85]  }
0x2c: {  	s7 =	sld [smem:$0x3F86]  }
0x2d: {  	s3 =	simm.s32 $0x108;
	s8 =	sld [smem:$0x3F87]  }
0x2e: {  	s3 =	simm.s32 @!p0 $0x1082;
	s9 =	sld [smem:$0x3F88]  }
0x2f: {  	lr =	sadd.s32 s0, s3;
	s0 =	sld [smem:$0x3F7F]  }
0x30: {  	s3 =	sld [smem:$0x3F82]  }
0x31: {  	[smem:$0x3F8B] =	sst s10  }
0x32: {  	s10 =	sld [smem:$0x3F89];
	_ =	sdelay $0x3  }
0x33: {  	p0 =	seq.s32 s10, $0x1;
	s10 =	sld [smem:$0x3F8B];
	_ =	sdelay $0x3  }
0x34: {  	[smem:$0x3F8B] =	sst s10  }
0x35: {  	s10 =	sld [smem:$0x3F8A];
	_ =	sdelay $0x3  }
0x36: {  	p1 =	seq.s32 s10, $0x1;
	s10 =	sld [smem:$0x3F8B];
	_ =	sdelay $0x3  }
0x37: {  	[smem:$0x3F8B] =	sst s10  }
0x38: {  	s10 =	sld [smem:$0x3F8C]  }
0x39: {  	_ = 	snop;
	(pc) =	sbr.ind lr, $3  }
0x3a: {  	_ = 	snop  }
0x3b: {  	_ = 	snop  }
0x3c: {  	p2 =	seq.s32 s10, $0x1;
	s10 =	sld [smem:$0x3F8B]  }
0x3d: {  	_ =	shalt  }
0x3e: {  	_ =	shalt  }
0x3f: {  	_ =	shalt  }
0x40: {  	_ =	shalt  }
0x41: {  	_ =	shalt  }
0x42: {  	_ =	shalt  }
0x43: {  	_ =	shalt  }
0x44: {  	_ =	shalt  }
0x45: {  	_ =	shalt  }
0x46: {  	_ =	shalt  }
0x47: {  	_ =	shalt  }
0x48: {  	_ =	shalt  }
0x49: {  	_ =	shalt  }
0x4a: {  	_ =	shalt  }
0x4b: {  	_ =	shalt  }
0x4c: {  	_ =	shalt  }
0x4d: {  	_ =	shalt  }
0x4e: {  	_ =	shalt  }
0x4f: {  	_ =	shalt  }
0x50: {  	_ =	shalt  }
0x51: {  	_ =	shalt  }
0x52: {  	_ =	shalt  }
0x53: {  	_ =	shalt  }
0x54: {  	_ =	shalt  }
0x55: {  	_ =	shalt  }
0x56: {  	_ =	shalt  }
0x57: {  	_ =	shalt  }
0x58: {  	_ =	shalt  }
0x59: {  	_ =	shalt  }
0x5a: {  	_ =	shalt  }
0x5b: {  	_ =	shalt  }
0x5c: {  	_ =	shalt  }
0x5d: {  	_ =	shalt  }
0x5e: {  	_ =	shalt  }
0x5f: {  	_ =	shalt  }
0x60: {  	_ =	shalt  }
0x61: {  	_ =	shalt  }
0x62: {  	_ =	shalt  }
0x63: {  	_ =	shalt  }
0x64: {  	_ =	shalt  }
0x65: {  	_ =	shalt  }
0x66: {  	_ =	shalt  }
0x67: {  	_ =	shalt  }
0x68: {  	_ =	shalt  }
0x69: {  	_ =	shalt  }
0x6a: {  	_ =	shalt  }
0x6b: {  	_ =	shalt  }
0x6c: {  	_ =	shalt  }
0x6d: {  	_ =	shalt  }
0x6e: {  	_ =	shalt  }
0x6f: {  	_ =	shalt  }
0x70: {  	_ =	shalt  }
0x71: {  	_ =	shalt  }
0x72: {  	_ =	shalt  }
0x73: {  	_ =	shalt  }
0x74: {  	_ =	shalt  }
0x75: {  	_ =	shalt  }
0x76: {  	_ =	shalt  }
0x77: {  	_ =	shalt  }
0x78: {  	_ =	shalt  }
0x79: {  	_ =	shalt  }
0x7a: {  	_ =	shalt  }
0x7b: {  	_ =	shalt  }
0x7c: {  	_ =	shalt  }
0x7d: {  	_ =	shalt  }
0x7e: {  	_ =	shalt  }
0x7f: {  	_ =	shalt  }
0x80: {  	_ =	shalt  }
0x81: {  	_ =	shalt  }
0x82: {  	_ =	shalt  }
0x83: {  	_ =	shalt  }
0x84: {  	_ =	shalt  }
0x85: {  	_ =	shalt  }
0x86: {  	_ =	shalt  }
0x87: {  	_ =	shalt  }
.Lfunc_end0:
.L_simem_size_0:
called_computation.2_lowered:
.L_overlay_start_0:
0x88: {  	s2 =	sld [smem:$0x3FD9]  }
0x89: {  	s3 =	sld [smem:$0x3FFE];
	_ =	sdelay $0x1  }
0x8a: {  	s1 =	srdreg.scid  }
0x8b: {  	s0 =	sand.u32 $0x1, s1  }
0x8c: {  	s14 =	sshll.u32 s0, $0xA;
	s2 =	sadd.s32 s3, s2  }
0x8d: {  	s2 =	sadd.s32 s2, s14  }
0x8e: {  	[smem:$0x3F97] =	sst s2  }
0x8f: {  	_ = 	snop  }
0x90: {  	s2 =	sld [smem:$0x3FD0];
	_ =	sdelay $0x2  }
0x91: {  	s15 =	simm.s32 $0xB;
	s4 =	simm.s32 $0x10  }
0x92: {  	[smem:s4], [sflag:s15] =	dma.local [hbm:s2], $0x1  }
0x93: {  	_ =	swait.eq [sflag:s15], $0x1  }
0x94: {  	[sflag:s15] =	ssyncset.done $0x0  }
0x95: {  	s16 =	sld [smem:$0x13];
	[sflag:s15] =	ssyncadd.s32 $0xFFFFFFFF  }
0x96: {  	s17 =	sld [smem:$0x16];
	(tm) =	ssettm $0x1  }
0x97: {  	s18 =	sld [smem:$0x3FFB];
	_ =	sdelay $0x3  }
0x98: {  	_ =	strace s18  }
0x99: {  	s4 =	sld [smem:$0x3FFC];
	_ =	sdelay $0x3  }
0x9a: {  	_ =	strace s4  }
0x9b: {  	s4 =	sld [smem:$0x3FFD];
	_ =	sdelay $0x3  }
0x9c: {  	_ =	strace s4  }
0x9d: {  	_ =	strace $0x8FFFFFFF  }
0x9e: {  	s19 =	sld [smem:$0x3FDB];
	_ =	sdelay $0x1  }
0x9f: {  	s5 =	simm.s32 $_scs_section_size  }
0xa0: {  	s6 =	simm.s32 $_size__tile_overlayer_lowered;
	s7 =	simm.s32 $_tile_overlayer_lowered  }
0xa1: {  	s22 =	simm.s32 $0x1BFF;
	s21 =	sshll.u32 s7, $0x1;
	s4 =	sadd.s32 s5, s19  }
0xa2: {  	s8 =	simm.s32 $0x0;
	s20 =	sshll.u32 s6, $0x1;
	s6 =	sadd.s32 s21, s4  }
0xa3: {  	[timem:s8], [sflag:s22] =	dma.local [hbm:s6], s20  }
0xa4: {  	_ =	swait.ge [sflag:s22], s20  }
0xa5: {  	s5 =	ssub.s32 $0x0, s20;
	[sflag:s22] =	ssyncset.done $0x0  }
0xa6: {  	[sflag:s22] =	ssyncadd.s32 s5;
	_ =	sdelay $0x1  }
0xa7: {  	s23 =	simm.s32 $0x1B8B  }
0xa8: {  	_ =	swait.ge [sflag:s23], $0x1  }
0xa9: {  	[sflag:s23] =	ssyncset.done $0x0  }
0xaa: {  	s25 =	simm.s32 $0x1B8E;
	s24 =	sld [smem:$0x3FFE];
	[sflag:s23] =	ssyncadd.s32 $0xFFFFFFFF  }
0xab: {  	s26 =	simm.s32 $execute0_lowered;
	[smem:$0x3FD2] =	sst s25  }
0xac: {  	s6 =	sshll.u32 s26, $0x1;
	_ =	strace $0x80000049;
	[dreg:$0x1] =	wrdreg $0xFFFFFFFF  }
0xad: {  	s28 =	simm.s32 $_size_execute0_lowered;
	s4 =	sadd.s32 s4, s6;
	[dreg:$0x0] =	wrdreg $0x0  }
0xae: {  	s6 =	sshll.u32 s28, $0x1;
	[dreg:$0x2] =	wrdreg s4  }
0xaf: {  	[dreg:$0x3] =	wrdreg s6  }
0xb0: {  	[dreg:$0x4] =	wrdreg $0xC0  }
0xb1: {  	_ =	task [dreg:s8], $0x5FFFF  }
0xb2: {  	[dreg:$0x1] =	wrdreg $0xFFFFFFFF  }
0xb3: {  	[dreg:$0x0] =	wrdreg $0x60  }
0xb4: {  	[dreg:$0x2] =	wrdreg s24  }
0xb5: {  	[dreg:$0x3] =	wrdreg s16  }
0xb6: {  	[dreg:$0x4] =	wrdreg s17  }
0xb7: {  	[dreg:$0x5] =	wrdreg $0xA  }
0xb8: {  	_ =	task.clear_ibuf [dreg:s8], $0x6FFFF;
	_ =	strace $0x90000049  }
0xb9: {  	s29 =	simm.s32 $0xA;
	_ =	strace $0x8000004B  }
0xba: {  	_ =	swait.ge [sflag:s29], $0x1  }
0xbb: {  	[sflag:s29] =	ssyncadd.s32 $0xFFFFFFFF  }
0xbc: {  	_ =	strace $0x9000004B  }
0xbd: {  	_ =	sfence  }
0xbe: {  	s30 =	sld [smem:$0x0];
	_ =	sdelay $0x2  }
0xbf: {  	s31 =	sshll.u32 s1, $0xD;
	s1 =	sshrl.u32 s1, $0x2  }
0xc0: {  	s3 =	sand.u32 $0x4000, s31;
	s1 =	sadd.s32 s1, s30  }
0xc1: {  	s0 =	sor.u32 s3, s0;
	s1 =	sshll.u32 s1, $0x11  }
0xc2: {  	s0 =	sor.u32 s1, s0  }
0xc3: {  	s0 =	sadd.s32 $0x8F2B, s0  }
0xc4: {  	[sflag:s0] =	ssyncadd.remote.s32 $0x1  }
0xc5: {  	_ =	sfence.sel $0xFFFF  }
0xc6: {  	[dreg:$0x0] =	wrdreg $0xFFFFFFFF;
	(pc) =	sbr.abs _section_cstart, $3  }
0xc7: {  	[dreg:$0x1] =	wrdreg $0xFFFFFFFF  }
0xc8: {  	_ =	task.clear_ibuf [dreg:s8], $0x2FFFF;
	_ =	strace $0x9FFFFFFF  }
0xc9: {  	(tm) =	ssettm $0x7FFFFFFF  }
tec
execute0_lowered:
.L_overlay_start_1:
0x0: {  	(tag) =	ssettag $0x1  }
0x1: {  	s7 =	rddreg [dreg:$0x0]  }
0x2: {  	s2 =	rddreg [dreg:$0x1]  }
0x3: {  	s3 =	rddreg [dreg:$0x2]  }
0x4: {  	s0 =	rddreg [dreg:$0x3];
	s1 =	srdreg.scid;
	_ =	strace $0x8000004A  }
0x5: {  	s4 =	simm.s32 $0x1;
	s9 =	simm.s32 $0x3;
	s5 =	sshll.u32 s1, $0x4  }
.Ltmp0:
0x6: {  	s1 =	stileid.u32;
	s5 =	sand.u32 $0x10, s5;
	(pc) =	sbr.rel .LBB2_1-.Ltmp0, $4  }
0x7: {  	s12 =	simm.s32 $0x0;
	s10 =	simm.s32 $0x0;
	s6 =	sor.u32 s1, s5  }
0x8: {  	[sflag:s4] =	ssyncpa.u1 $0x0;
	s5 =	simm.s32 $0x2;
	s6 =	sshll.u32 s6, $0x6  }
0x9: {  	s7 =	sadd.s32 $0x80000, s7;
	[sflag:s5] =	ssyncpa.u1 $0x0;
	s8 =	sadd.s32 $0x40, s6  }
0xa: {  	vm0 =	vmmov $0xff;
	vm1 =	vcmask $0x3F20;
	[sflag:s9] =	ssyncpa.u1 $0x0;
	s9 =	simm.s32 $0x40;
	s11 =	smov.u32 s6  }
.LBB2_9:
0xb: {  	p0 =	seq.s32 s10, $0x2  }
.Ltmp1:
0xc: {  	_ = 	snop;
	(pc) =	sbr.rel @p0 .LBB2_11-.Ltmp1, $1  }
0xd: {  	_ =	sdelay $0x3  }
.LBB2_10:
0xe: {  	s12 =	sadd.s32 $0x40, s11  }
0xf: {  	s13 =	smov.u32 s6;
	p0 =	slt.s32 s12, s8  }
0x10: {  	s13 =	smov.u32 @p0 s12  }
0x11: {  	s10 =	sadd.s32 $0x1, s10;
	s12 =	smov.u32 s11;
	s11 =	smov.u32 s13  }
.LBB2_1:
0x12: {  	p0 =	sne.s32 s10, $0x0  }
.Ltmp2:
0x13: {  	_ = 	snop;
	(pc) =	sbr.rel @!p0 .LBB2_2-.Ltmp2, $1  }
0x14: {  	_ =	sdelay $0x3  }
0x15: {  	s13 =	sand.u32 $0x1, s10  }
0x16: {  	p0 =	seq.s32 s13, $0x0  }
.Ltmp3:
0x17: {  	_ = 	snop;
	(pc) =	sbr.rel @p0 .LBB2_9-.Ltmp3, $1  }
0x18: {  	_ =	sdelay $0x3  }
0x19: {  	_ =	swait.ge [sflag:s5], $0x40  }
0x1a: {  	[sflag:s5] =	ssyncset.done $0x0  }
0x1b: {  	s13 =	simm.s32 $0x0;
	[sflag:s5] =	ssyncadd.s32 $0xFFFFFFC0  }
0x1c: {  	v0 =	vld.msk [tilespmem:s13+$0x40 ss:$0x1], $0xffff;
	_ =	sdelay $0x4  }
0x1d: {  	v1 =	vshll.u32 v0, $0x4  }
0x1e: {  	vm2 =	veq.s32 v0, $0x80000000;
	v0 =	vshll.u32 v0, $0x11;
	v1 =	vand.u32 $0x1FF80, v1  }
0x1f: {  	v0 =	vand.u32 $0xE0000, v0;
	v1 =	vsel vm2, $0xFFFFFF80, v1  }
0x20: {  	v0 =	vsel vm2, $0xFFFE0000, v0;
	v2 =	vand.u32 $0xFFFFFC00, v1  }
0x21: {  	v1 =	vand.u32 $0x380, v1;
	v0 =	vadd.s32 v0, v2  }
0x22: {  	v0 =	vor.u32 v1, v0  }
0x23: {  	v0 =	vshrl.u32 v0, $0x3;
	_ =	sdelay $0x3  }
0x24: {  	s13 =	simm.s32 $0x2080  }
0x25: {  	[tilespmem:s13], [sflag:$0x1] =	stream.indirect_vreg.gather [hbm:s7], $0x80, v0, vm0, $0x38;
	[tilespmem:$0x4080] =	vst v63  }
0x26: {  	s14 =	simm.s32 $0x2480;
	s31 =	simm.s32 $0x10  }
0x27: {  	[tilespmem:s14], [sflag:$0x1] =	stream.indirect_vreg.gather [hbm:s7], $0x80, v0, vm1, $0x38;
	[tilespmem:$0x4080] =	vst v63  }
0x28: {  	s14 =	simm.s32 $0x80;
	v0 =	vld.msk [tilespmem:s31+$0x40 ss:$0x1], $0xffff  }
.LBB2_5:
0x29: {  	p0 =	sne.s32 s14, $0xC0;
	_ =	sdelay $0x4  }
0x2a: {  	v1 =	vshll.u32 v0, $0x4  }
0x2b: {  	vm2 =	veq.s32 v0, $0x80000000;
	v0 =	vshll.u32 v0, $0x11;
	v1 =	vand.u32 $0x1FF80, v1  }
0x2c: {  	v0 =	vand.u32 $0xE0000, v0;
	v1 =	vsel vm2, $0xFFFFFF80, v1  }
0x2d: {  	v0 =	vsel vm2, $0xFFFE0000, v0;
	v2 =	vand.u32 $0xFFFFFC00, v1  }
0x2e: {  	v1 =	vand.u32 $0x380, v1;
	v0 =	vadd.s32 v0, v2  }
0x2f: {  	v0 =	vor.u32 v1, v0  }
0x30: {  	v0 =	vshrl.u32 v0, $0x3;
	_ =	sdelay $0x3  }
.Ltmp4:
0x31: {  	s13 =	sadd.s32 $0x800, s13;
	(pc) =	sbr.rel @p0 .LBB2_5-.Ltmp4, $4  }
0x32: {  	[tilespmem:s13], [sflag:$0x1] =	stream.indirect_vreg.gather [hbm:s7], $0x80, v0, vm0, $0x38;
	[tilespmem:$0x4080] =	vst v63  }
0x33: {  	s15 =	sshra.s32 s14, $0x2;
	s16 =	sadd.s32 $0x400, s13  }
0x34: {  	[tilespmem:s16], [sflag:$0x1] =	stream.indirect_vreg.gather [hbm:s7], $0x80, v0, vm1, $0x38;
	[tilespmem:$0x4080] =	vst v63  }
0x35: {  	s14 =	sadd.s32 $0x40, s14;
	v0 =	vld.msk [tilespmem:s15+$0x40 ss:$0x1], $0xffff  }
0x36: {  	_ =	sdelay $0x3  }
0x37: {  	v1 =	vshll.u32 v0, $0x4  }
0x38: {  	vm2 =	veq.s32 v0, $0x80000000;
	v63 =	vshll.u32 v0, $0x11;
	v1 =	vand.u32 $0x1FF80, v1  }
0x39: {  	v0 =	vand.u32 $0xE0000, v63;
	v1 =	vsel vm2, $0xFFFFFF80, v1  }
0x3a: {  	v0 =	vsel vm2, $0xFFFE0000, v0;
	v2 =	vand.u32 $0xFFFFFC00, v1  }
0x3b: {  	v1 =	vand.u32 $0x380, v1;
	v0 =	vadd.s32 v0, v2  }
0x3c: {  	v0 =	vor.u32 v1, v0  }
0x3d: {  	v0 =	vshrl.u32 v0, $0x3;
	_ =	sdelay $0x3  }
0x3e: {  	s13 =	sadd.s32 $0x800, s13  }
0x3f: {  	[tilespmem:s13], [sflag:$0x1] =	stream.indirect_vreg.gather [hbm:s7], $0x80, v0, vm0, $0x38;
	[tilespmem:$0x4080] =	vst v63  }
0x40: {  	s13 =	sadd.s32 $0x400, s13  }
0x41: {  	[tilespmem:s13], [sflag:$0x1] =	stream.indirect_vreg.gather [hbm:s7], $0x80, v0, vm1, $0x38;
	[tilespmem:$0x4080] =	vst v63  }
0x42: {  	s12 =	sshll.u32 s12, $0x4;
	s14 =	simm.s32 $0x80;
	_ =	swait.ge [sflag:s4], $0x2000  }
0x43: {  	s15 =	simm.s32 $0x2480;
	s12 =	sadd.s32 s12, s3;
	[sflag:s4] =	ssyncset.done $0x0  }
0x44: {  	s16 =	sadd.s32 $0x0, s12;
	s13 =	simm.s32 $0x2080;
	[sflag:s4] =	ssyncadd.s32 $0xFFFFE000  }
.LBB2_7:
0x45: {  	[hbm:s16] =	stream.linear.scatter [tilespmem:s13], [sflag:$0x3], $0x400, $0x38;
	[tilespmem:$0x4080] =	vst v63  }
0x46: {  	s16 =	smov.u32 s14;
	s13 =	smov.u32 s15;
	p0 =	sne.s32 s14, $0x380  }
.Ltmp5:
0x47: {  	s14 =	sadd.s32 $0x80, s14;
	(pc) =	sbr.rel @p0 .LBB2_7-.Ltmp5, $2  }
0x48: {  	_ =	sdelay $0x2  }
0x49: {  	s15 =	sadd.s32 $0x400, s15;
	s16 =	sadd.s32 s16, s12  }
.Ltmp6:
0x4a: {  	(pc) =	sbr.rel .LBB2_9-.Ltmp6, $2  }
0x4b: {  	_ =	sdelay $0x2  }
0x4c: {  	[hbm:s16] =	stream.linear.scatter [tilespmem:s13], [sflag:$0x3], $0x400, $0x38;
	[tilespmem:$0x4080] =	vst v63  }
.LBB2_2:
.Ltmp7:
0x4d: {  	(pc) =	sbr.rel .LBB2_10-.Ltmp7, $4  }
0x4e: {  	_ = 	snop  }
0x4f: {  	s12 =	sshrl.u32 s11, $0x3  }
0x50: {  	s13 =	sand.u32 $0x7, s11;
	s12 =	sadd.s32 s2, s12  }
0x51: {  	[tilespmem:s9], [sflag:$0x2] =	stream.linear.gather [hbm4b:s12+s13], $0x40, $0x38;
	[tilespmem:$0x4080] =	vst v63  }
.LBB2_11:
0x52: {  	s2 =	simm.s32 $0x3  }
0x53: {  	_ =	swait.ge [sflag:s2], $0x2000  }
0x54: {  	[sflag:s2] =	ssyncset.done $0x0  }
0x55: {  	[sflag:s2] =	ssyncadd.s32 $0xFFFFE000  }
0x56: {  	_ =	sfence.sel $0x180000  }
0x57: {  	s3 =	simm.s32 $0x2;
	[bflag:$0x0] =	sbarrier.arrive $0xFFFF  }
0x58: {  	[sflag:s3] =	ssyncpa.u1 $0x1  }
0x59: {  	s31 =	simm.s32 $0x1;
	[sflag:s2] =	ssyncpa.u1 $0x1  }
0x5a: {  	[sflag:s31] =	ssyncpa.u1 $0x1  }
0x5b: {  	p0 =	sne.s32 s1, $0x0;
	_ =	strace $0x9000004A  }
0x5c: {  	s0 =	sadd.s32 @!p0 $0x100000, s0;
	[bflag:$0x2] =	sbarrier.arrive $0xFFFF  }
0x5d: {  	[sflag:s0] =	ssyncadd.tile.s32 @!p0 $0x1;
	_ =	shalt  }
.Lfunc_end2:
_tile_overlayer_lowered:
.L_overlay_start_2:
0x5e: {  	(tag) =	ssettag $0x2  }
0x5f: {  	s0 =	rddreg [dreg:$0x0];
	s2 =	stileid.u32  }
0x60: {  	s1 =	rddreg [dreg:$0x1];
	p0 =	sne.s32 s2, $0x0  }
0x61: {  	s3 =	rddreg [dreg:$0x2];
	[bflag:$0x3] =	sbarrier.arrive $0xFFFF;
	s2 =	simm.s32 @!p0 $0x1C01  }
0x62: {  	[timem:s3], [sflag:s2] =	dma.local @!p0 [hbm:s0], s1  }
0x63: {  	s0 =	simm.s32 @!p0 $0x1  }
0x64: {  	_ =	swait.ge @!p0 [sflag:s0], s1  }
0x65: {  	s1 =	ssub.s32 @!p0 $0x0, s1;
	[sflag:s0] =	ssyncset.done @!p0 $0x0  }
0x66: {  	[sflag:s0] =	ssyncadd.s32 @!p0 s1  }
0x67: {  	[bflag:$0x3] =	sbarrier.arrive $0xFFFF  }
0x68: {  	_ =	shalt  }

// kernel: gather_offload_async_start
scs
__scs_entry_jumppad:
0x0: {  	(pc) =	sbr.rel $0x88, $3  }
0x1: {  	(tag) =	ssettag $0x0;
	lr =	simm.s32 $0x1  }
0x2: {  	[smem:$0x3F70] =	sst lr;
	_ =	strace $0xD0000000  }
0x3: {  	_ = 	snop  }
0x4: {  	_ = 	snop  }
0x5: {  	_ = 	snop  }
0x6: {  	_ = 	snop  }
0x7: {  	_ = 	snop  }
__scs_overlays_trampoline_lowered:
0x8: {  	[smem:$0x3F7F] =	sst s0  }
0x9: {  	[smem:$0x3F80] =	sst s1  }
0xa: {  	[smem:$0x3F81] =	sst s2  }
0xb: {  	[smem:$0x3F82] =	sst s3  }
0xc: {  	[smem:$0x3F83] =	sst s4  }
0xd: {  	[smem:$0x3F84] =	sst s5  }
0xe: {  	[smem:$0x3F85] =	sst s6  }
0xf: {  	[smem:$0x3F86] =	sst s7  }
0x10: {  	[smem:$0x3F87] =	sst s8  }
0x11: {  	[smem:$0x3F88] =	sst s9;
	s0 =	simm.s32 @!p0 $0x0  }
0x12: {  	s1 =	sld [smem:$0x3F6E];
	s0 =	simm.s32 @p0 $0x1  }
0x13: {  	[smem:$0x3F89] =	sst s0;
	s0 =	simm.s32 @!p1 $0x0  }
0x14: {  	s2 =	sld [smem:$0x3F6D];
	s0 =	simm.s32 @p1 $0x1  }
0x15: {  	[smem:$0x3F8A] =	sst s0;
	s0 =	simm.s32 @!p2 $0x0  }
0x16: {  	s3 =	sld [smem:$0x3FDB];
	s0 =	simm.s32 @p2 $0x1  }
0x17: {  	s4 =	simm.s32 $0x1BF5;
	[smem:$0x3F8C] =	sst s0  }
0x18: {  	s0 =	sld [smem:$0x3F6F];
	_ =	swait.ge [sflag:s4], $0x0  }
0x19: {  	s7 =	sld [smem:$0x3F70]  }
0x1a: {  	s8 =	sadd.s32 $0xFFFFE003, lr  }
0x1b: {  	s9 =	sadd.s32 $0xFFFFFEF7, lr;
	s5 =	simm.s32 $0xFFFFFFFF;
	p2 =	slt.u32 s8, $0xFFFFF086  }
0x1c: {  	p1 =	slt.u32 s9, $0xF7A;
	s5 =	simm.s32 @!p2 $0x0  }
0x1d: {  	s5 =	simm.s32 @p1 $0x1;
	p0 =	seq.s32 s7, s2  }
0x1e: {  	s7 =	smul.u32 @!p0 $0xF7A, s2;
	p2 =	seq.s32 @!p0 s5, $0x0  }
0x1f: {  	s9 =	smul.u32 $0xF7A, s1;
	s8 =	simm.s32 @!p0 $0x1BF5;
	p2 =	por !p2, p0  }
0x20: {  	[sflag:s8] =	ssyncset.s32 @!p0 $0xFFFFF086;
	s6 =	sadd.s32 @!p0 s3, s7;
	s7 =	simm.s32 @!p0 $0x108  }
0x21: {  	s3 =	sadd.s32 s3, s9;
	s6 =	sadd.s32 @!p0 $0x88, s6;
	s7 =	simm.s32 @p2 $0x1082  }
0x22: {  	[simem:s7], [sflag:s8] =	dma.local @!p0 [hbm:s6], $0xF7A  }
0x23: {  	s9 =	sor.u32 $0xD0000000, s2;
	s6 =	simm.s32 $0x108;
	_ =	swait.ge @!p0 [sflag:s8], $0x0  }
0x24: {  	s3 =	sadd.s32 $0x88, s3;
	s6 =	simm.s32 @!p1 $0x1082;
	[sflag:s4] =	ssyncset.s32 $0xFFFFF086  }
0x25: {  	[simem:s6], [sflag:s4] =	dma.local [hbm:s3], $0xF7A  }
0x26: {  	[smem:$0x3F70] =	sst s1;
	(tag) =	ssettag s2;
	_ =	strace s9  }
0x27: {  	s1 =	sld [smem:$0x3F80]  }
0x28: {  	s2 =	sld [smem:$0x3F81]  }
0x29: {  	s4 =	sld [smem:$0x3F83]  }
0x2a: {  	p0 =	seq.s32 s5, $0x0;
	s5 =	sld [smem:$0x3F84]  }
0x2b: {  	s6 =	sld [smem:$0x3F85]  }
0x2c: {  	s7 =	sld [smem:$0x3F86]  }
0x2d: {  	s3 =	simm.s32 $0x108;
	s8 =	sld [smem:$0x3F87]  }
0x2e: {  	s3 =	simm.s32 @!p0 $0x1082;
	s9 =	sld [smem:$0x3F88]  }
0x2f: {  	lr =	sadd.s32 s0, s3;
	s0 =	sld [smem:$0x3F7F]  }
0x30: {  	s3 =	sld [smem:$0x3F82]  }
0x31: {  	[smem:$0x3F8B] =	sst s10  }
0x32: {  	s10 =	sld [smem:$0x3F89];
	_ =	sdelay $0x3  }
0x33: {  	p0 =	seq.s32 s10, $0x1;
	s10 =	sld [smem:$0x3F8B];
	_ =	sdelay $0x3  }
0x34: {  	[smem:$0x3F8B] =	sst s10  }
0x35: {  	s10 =	sld [smem:$0x3F8A];
	_ =	sdelay $0x3  }
0x36: {  	p1 =	seq.s32 s10, $0x1;
	s10 =	sld [smem:$0x3F8B];
	_ =	sdelay $0x3  }
0x37: {  	[smem:$0x3F8B] =	sst s10  }
0x38: {  	s10 =	sld [smem:$0x3F8C]  }
0x39: {  	_ = 	snop;
	(pc) =	sbr.ind lr, $3  }
0x3a: {  	_ = 	snop  }
0x3b: {  	_ = 	snop  }
0x3c: {  	p2 =	seq.s32 s10, $0x1;
	s10 =	sld [smem:$0x3F8B]  }
0x3d: {  	_ =	shalt  }
0x3e: {  	_ =	shalt  }
0x3f: {  	_ =	shalt  }
0x40: {  	_ =	shalt  }
0x41: {  	_ =	shalt  }
0x42: {  	_ =	shalt  }
0x43: {  	_ =	shalt  }
0x44: {  	_ =	shalt  }
0x45: {  	_ =	shalt  }
0x46: {  	_ =	shalt  }
0x47: {  	_ =	shalt  }
0x48: {  	_ =	shalt  }
0x49: {  	_ =	shalt  }
0x4a: {  	_ =	shalt  }
0x4b: {  	_ =	shalt  }
0x4c: {  	_ =	shalt  }
0x4d: {  	_ =	shalt  }
0x4e: {  	_ =	shalt  }
0x4f: {  	_ =	shalt  }
0x50: {  	_ =	shalt  }
0x51: {  	_ =	shalt  }
0x52: {  	_ =	shalt  }
0x53: {  	_ =	shalt  }
0x54: {  	_ =	shalt  }
0x55: {  	_ =	shalt  }
0x56: {  	_ =	shalt  }
0x57: {  	_ =	shalt  }
0x58: {  	_ =	shalt  }
0x59: {  	_ =	shalt  }
0x5a: {  	_ =	shalt  }
0x5b: {  	_ =	shalt  }
0x5c: {  	_ =	shalt  }
0x5d: {  	_ =	shalt  }
0x5e: {  	_ =	shalt  }
0x5f: {  	_ =	shalt  }
0x60: {  	_ =	shalt  }
0x61: {  	_ =	shalt  }
0x62: {  	_ =	shalt  }
0x63: {  	_ =	shalt  }
0x64: {  	_ =	shalt  }
0x65: {  	_ =	shalt  }
0x66: {  	_ =	shalt  }
0x67: {  	_ =	shalt  }
0x68: {  	_ =	shalt  }
0x69: {  	_ =	shalt  }
0x6a: {  	_ =	shalt  }
0x6b: {  	_ =	shalt  }
0x6c: {  	_ =	shalt  }
0x6d: {  	_ =	shalt  }
0x6e: {  	_ =	shalt  }
0x6f: {  	_ =	shalt  }
0x70: {  	_ =	shalt  }
0x71: {  	_ =	shalt  }
0x72: {  	_ =	shalt  }
0x73: {  	_ =	shalt  }
0x74: {  	_ =	shalt  }
0x75: {  	_ =	shalt  }
0x76: {  	_ =	shalt  }
0x77: {  	_ =	shalt  }
0x78: {  	_ =	shalt  }
0x79: {  	_ =	shalt  }
0x7a: {  	_ =	shalt  }
0x7b: {  	_ =	shalt  }
0x7c: {  	_ =	shalt  }
0x7d: {  	_ =	shalt  }
0x7e: {  	_ =	shalt  }
0x7f: {  	_ =	shalt  }
0x80: {  	_ =	shalt  }
0x81: {  	_ =	shalt  }
0x82: {  	_ =	shalt  }
0x83: {  	_ =	shalt  }
0x84: {  	_ =	shalt  }
0x85: {  	_ =	shalt  }
0x86: {  	_ =	shalt  }
0x87: {  	_ =	shalt  }
.Lfunc_end0:
.L_simem_size_0:
called_computation.1_lowered:
.L_overlay_start_0:
0x88: {  	s2 =	sld [smem:$0x3FD9]  }
0x89: {  	s3 =	sld [smem:$0x3FFE];
	_ =	sdelay $0x1  }
0x8a: {  	s1 =	srdreg.scid  }
0x8b: {  	s0 =	sand.u32 $0x1, s1  }
0x8c: {  	s14 =	sshll.u32 s0, $0xA;
	s2 =	sadd.s32 s3, s2  }
0x8d: {  	s2 =	sadd.s32 s2, s14  }
0x8e: {  	[smem:$0x3F97] =	sst s2  }
0x8f: {  	_ = 	snop  }
0x90: {  	s2 =	sld [smem:$0x3FD0];
	_ =	sdelay $0x2  }
0x91: {  	s15 =	simm.s32 $0xB;
	s4 =	simm.s32 $0x10  }
0x92: {  	[smem:s4], [sflag:s15] =	dma.local [hbm:s2], $0x1  }
0x93: {  	_ =	swait.eq [sflag:s15], $0x1  }
0x94: {  	[sflag:s15] =	ssyncset.done $0x0  }
0x95: {  	[sflag:s15] =	ssyncadd.s32 $0xFFFFFFFF  }
0x96: {  	s16 =	sld [smem:$0x11];
	(tm) =	ssettm $0x1  }
0x97: {  	s17 =	sld [smem:$0x3FFB];
	_ =	sdelay $0x3  }
0x98: {  	_ =	strace s17  }
0x99: {  	s3 =	sld [smem:$0x3FFC];
	_ =	sdelay $0x3  }
0x9a: {  	_ =	strace s3  }
0x9b: {  	s3 =	sld [smem:$0x3FFD];
	_ =	sdelay $0x3  }
0x9c: {  	_ =	strace s3  }
0x9d: {  	_ =	strace $0x8FFFFFFF  }
0x9e: {  	s18 =	sld [smem:$0x3FDB];
	_ =	sdelay $0x1  }
0x9f: {  	s19 =	simm.s32 $_scs_section_size  }
0xa0: {  	s5 =	simm.s32 $_size__tile_overlayer_lowered;
	s6 =	simm.s32 $_tile_overlayer_lowered  }
0xa1: {  	s22 =	simm.s32 $0x1BFF;
	s21 =	sshll.u32 s6, $0x1;
	s3 =	sadd.s32 s19, s18  }
0xa2: {  	s7 =	simm.s32 $0x0;
	s20 =	sshll.u32 s5, $0x1;
	s5 =	sadd.s32 s21, s3  }
0xa3: {  	[timem:s7], [sflag:s22] =	dma.local [hbm:s5], s20  }
0xa4: {  	_ =	swait.ge [sflag:s22], s20  }
0xa5: {  	s4 =	ssub.s32 $0x0, s20;
	[sflag:s22] =	ssyncset.done $0x0  }
0xa6: {  	[sflag:s22] =	ssyncadd.s32 s4;
	_ =	sdelay $0x1  }
0xa7: {  	s23 =	simm.s32 $0x1B8B  }
0xa8: {  	_ =	swait.ge [sflag:s23], $0x1  }
0xa9: {  	[sflag:s23] =	ssyncset.done $0x0  }
0xaa: {  	s25 =	simm.s32 $0x1B8E;
	s24 =	sld [smem:$0x3FFE];
	[sflag:s23] =	ssyncadd.s32 $0xFFFFFFFF  }
0xab: {  	s26 =	simm.s32 $execute0_lowered;
	[smem:$0x3FD2] =	sst s25  }
0xac: {  	s5 =	sshll.u32 s26, $0x1;
	_ =	strace $0x80000046;
	[dreg:$0x1] =	wrdreg $0xFFFFFFFF  }
0xad: {  	s28 =	simm.s32 $_size_execute0_lowered;
	s3 =	sadd.s32 s3, s5;
	[dreg:$0x0] =	wrdreg $0x0  }
0xae: {  	s5 =	sshll.u32 s28, $0x1;
	[dreg:$0x2] =	wrdreg s3  }
0xaf: {  	[dreg:$0x3] =	wrdreg s5  }
0xb0: {  	[dreg:$0x4] =	wrdreg $0xC0  }
0xb1: {  	_ =	task [dreg:s7], $0x5FFFF  }
0xb2: {  	[dreg:$0x1] =	wrdreg $0xFFFFFFFF  }
0xb3: {  	[dreg:$0x0] =	wrdreg $0x60  }
0xb4: {  	[dreg:$0x2] =	wrdreg s24  }
0xb5: {  	[dreg:$0x3] =	wrdreg s16  }
0xb6: {  	[dreg:$0x4] =	wrdreg $0x9  }
0xb7: {  	_ =	task.clear_ibuf [dreg:s7], $0x5FFFF;
	_ =	strace $0x90000046  }
0xb8: {  	s29 =	simm.s32 $0x9;
	_ =	strace $0x80000048  }
0xb9: {  	_ =	swait.ge [sflag:s29], $0x1  }
0xba: {  	[sflag:s29] =	ssyncadd.s32 $0xFFFFFFFF  }
0xbb: {  	_ =	strace $0x90000048  }
0xbc: {  	_ =	sfence  }
0xbd: {  	s30 =	sld [smem:$0x0];
	_ =	sdelay $0x2  }
0xbe: {  	s31 =	sshll.u32 s1, $0xD;
	s1 =	sshrl.u32 s1, $0x2  }
0xbf: {  	s3 =	sand.u32 $0x4000, s31;
	s1 =	sadd.s32 s1, s30  }
0xc0: {  	s0 =	sor.u32 s3, s0;
	s1 =	sshll.u32 s1, $0x11  }
0xc1: {  	s0 =	sor.u32 s1, s0  }
0xc2: {  	s0 =	sadd.s32 $0x8F2B, s0  }
0xc3: {  	[sflag:s0] =	ssyncadd.remote.s32 $0x1  }
0xc4: {  	_ =	sfence.sel $0xFFFF  }
0xc5: {  	[dreg:$0x0] =	wrdreg $0xFFFFFFFF;
	(pc) =	sbr.abs _section_cstart, $3  }
0xc6: {  	[dreg:$0x1] =	wrdreg $0xFFFFFFFF  }
0xc7: {  	_ =	task.clear_ibuf [dreg:s7], $0x2FFFF;
	_ =	strace $0x9FFFFFFF  }
0xc8: {  	(tm) =	ssettm $0x7FFFFFFF  }
0xc9: {  	_ =	shalt  }
tec
execute0_lowered:
.L_overlay_start_1:
0x0: {  	(tag) =	ssettag $0x1  }
0x1: {  	s2 =	rddreg [dreg:$0x0]  }
0x2: {  	s3 =	rddreg [dreg:$0x1]  }
0x3: {  	s0 =	rddreg [dreg:$0x2];
	s1 =	srdreg.scid;
	_ =	strace $0x80000047  }
0x4: {  	s4 =	simm.s32 $0x1;
	s9 =	simm.s32 $0x3;
	s5 =	sshll.u32 s1, $0x4  }
.Ltmp0:
0x5: {  	s1 =	stileid.u32;
	s5 =	sand.u32 $0x10, s5;
	(pc) =	sbr.rel .LBB2_1-.Ltmp0, $4  }
0x6: {  	s12 =	simm.s32 $0x0;
	s10 =	simm.s32 $0x0;
	s6 =	sor.u32 s1, s5  }
0x7: {  	[sflag:s4] =	ssyncpa.u1 $0x0;
	s5 =	simm.s32 $0x2;
	s6 =	sshll.u32 s6, $0x8  }
0x8: {  	s7 =	sadd.s32 $0x80000, s2;
	[sflag:s5] =	ssyncpa.u1 $0x0;
	s8 =	sadd.s32 $0x100, s6  }
0x9: {  	vm0 =	vmmov $0xff;
	vm1 =	vcmask $0x3F20;
	[sflag:s9] =	ssyncpa.u1 $0x0;
	s9 =	simm.s32 $0x100;
	s11 =	smov.u32 s6  }
.LBB2_9:
0xa: {  	p0 =	seq.s32 s10, $0x2  }
.Ltmp1:
0xb: {  	_ = 	snop;
	(pc) =	sbr.rel @p0 .LBB2_11-.Ltmp1, $1  }
0xc: {  	_ =	sdelay $0x3  }
.LBB2_10:
0xd: {  	s12 =	sadd.s32 $0x100, s11  }
0xe: {  	s13 =	smov.u32 s6;
	p0 =	slt.s32 s12, s8  }
0xf: {  	s13 =	smov.u32 @p0 s12  }
0x10: {  	s10 =	sadd.s32 $0x1, s10;
	s12 =	smov.u32 s11;
	s11 =	smov.u32 s13  }
.LBB2_1:
0x11: {  	p0 =	sne.s32 s10, $0x0  }
.Ltmp2:
0x12: {  	_ = 	snop;
	(pc) =	sbr.rel @!p0 .LBB2_2-.Ltmp2, $1  }
0x13: {  	_ =	sdelay $0x3  }
0x14: {  	s13 =	sand.u32 $0x1, s10  }
0x15: {  	p0 =	seq.s32 s13, $0x0  }
.Ltmp3:
0x16: {  	_ = 	snop;
	(pc) =	sbr.rel @p0 .LBB2_9-.Ltmp3, $1  }
0x17: {  	_ =	sdelay $0x3  }
0x18: {  	_ =	swait.ge [sflag:s5], $0x100  }
0x19: {  	[sflag:s5] =	ssyncset.done $0x0  }
0x1a: {  	s13 =	simm.s32 $0x0;
	[sflag:s5] =	ssyncadd.s32 $0xFFFFFF00  }
0x1b: {  	v0 =	vld.msk [tilespmem:s13+$0x100 ss:$0x1], $0xffff;
	_ =	sdelay $0x4  }
0x1c: {  	v1 =	vshll.u32 v0, $0x4  }
0x1d: {  	vm2 =	veq.s32 v0, $0x80000000;
	v0 =	vshll.u32 v0, $0x13;
	v1 =	vand.u32 $0x7FF80, v1  }
0x1e: {  	v0 =	vand.u32 $0x380000, v0;
	v1 =	vsel vm2, $0xFFFFFF80, v1  }
0x1f: {  	v0 =	vsel vm2, $0xFFF80000, v0;
	v2 =	vand.u32 $0xFFFFFC00, v1  }
0x20: {  	v1 =	vand.u32 $0x380, v1;
	v0 =	vadd.s32 v0, v2  }
0x21: {  	v0 =	vor.u32 v1, v0  }
0x22: {  	v0 =	vshrl.u32 v0, $0x3;
	_ =	sdelay $0x3  }
0x23: {  	s13 =	simm.s32 $0x8200  }
0x24: {  	[tilespmem:s13], [sflag:$0x1] =	stream.indirect_vreg.gather [hbm:s2], $0x80, v0, vm0, $0x38;
	[tilespmem:$0x10200] =	vst v63  }
0x25: {  	s14 =	simm.s32 $0x8600;
	s31 =	simm.s32 $0x10  }
0x26: {  	[tilespmem:s14], [sflag:$0x1] =	stream.indirect_vreg.gather [hbm:s2], $0x80, v0, vm1, $0x38;
	[tilespmem:$0x10200] =	vst v63  }
0x27: {  	s14 =	simm.s32 $0x80;
	v0 =	vld.msk [tilespmem:s31+$0x100 ss:$0x1], $0xffff  }
.LBB2_5:
0x28: {  	p0 =	sne.s32 s14, $0x3C0;
	_ =	sdelay $0x4  }
0x29: {  	v1 =	vshll.u32 v0, $0x4  }
0x2a: {  	vm2 =	veq.s32 v0, $0x80000000;
	v0 =	vshll.u32 v0, $0x13;
	v1 =	vand.u32 $0x7FF80, v1  }
0x2b: {  	v0 =	vand.u32 $0x380000, v0;
	v1 =	vsel vm2, $0xFFFFFF80, v1  }
0x2c: {  	v0 =	vsel vm2, $0xFFF80000, v0;
	v2 =	vand.u32 $0xFFFFFC00, v1  }
0x2d: {  	v1 =	vand.u32 $0x380, v1;
	v0 =	vadd.s32 v0, v2  }
0x2e: {  	v0 =	vor.u32 v1, v0  }
0x2f: {  	v0 =	vshrl.u32 v0, $0x3;
	_ =	sdelay $0x3  }
.Ltmp4:
0x30: {  	s13 =	sadd.s32 $0x800, s13;
	(pc) =	sbr.rel @p0 .LBB2_5-.Ltmp4, $4  }
0x31: {  	[tilespmem:s13], [sflag:$0x1] =	stream.indirect_vreg.gather [hbm:s2], $0x80, v0, vm0, $0x38;
	[tilespmem:$0x10200] =	vst v63  }
0x32: {  	s15 =	sshra.s32 s14, $0x2;
	s16 =	sadd.s32 $0x400, s13  }
0x33: {  	[tilespmem:s16], [sflag:$0x1] =	stream.indirect_vreg.gather [hbm:s2], $0x80, v0, vm1, $0x38;
	[tilespmem:$0x10200] =	vst v63  }
0x34: {  	s14 =	sadd.s32 $0x40, s14;
	v0 =	vld.msk [tilespmem:s15+$0x100 ss:$0x1], $0xffff  }
0x35: {  	_ =	sdelay $0x3  }
0x36: {  	v1 =	vshll.u32 v0, $0x4  }
0x37: {  	vm2 =	veq.s32 v0, $0x80000000;
	v63 =	vshll.u32 v0, $0x13;
	v1 =	vand.u32 $0x7FF80, v1  }
0x38: {  	v0 =	vand.u32 $0x380000, v63;
	v1 =	vsel vm2, $0xFFFFFF80, v1  }
0x39: {  	v0 =	vsel vm2, $0xFFF80000, v0;
	v2 =	vand.u32 $0xFFFFFC00, v1  }
0x3a: {  	v1 =	vand.u32 $0x380, v1;
	v0 =	vadd.s32 v0, v2  }
0x3b: {  	v0 =	vor.u32 v1, v0  }
0x3c: {  	v0 =	vshrl.u32 v0, $0x3;
	_ =	sdelay $0x3  }
0x3d: {  	s13 =	sadd.s32 $0x800, s13  }
0x3e: {  	[tilespmem:s13], [sflag:$0x1] =	stream.indirect_vreg.gather [hbm:s2], $0x80, v0, vm0, $0x38;
	[tilespmem:$0x10200] =	vst v63  }
0x3f: {  	s13 =	sadd.s32 $0x400, s13  }
0x40: {  	[tilespmem:s13], [sflag:$0x1] =	stream.indirect_vreg.gather [hbm:s2], $0x80, v0, vm1, $0x38;
	[tilespmem:$0x10200] =	vst v63  }
0x41: {  	s12 =	sshll.u32 s12, $0x4;
	s14 =	simm.s32 $0x80;
	_ =	swait.ge [sflag:s4], $0x8000  }
0x42: {  	s15 =	simm.s32 $0x8600;
	s12 =	sadd.s32 s12, s7;
	[sflag:s4] =	ssyncset.done $0x0  }
0x43: {  	s16 =	sadd.s32 $0x0, s12;
	s13 =	simm.s32 $0x8200;
	[sflag:s4] =	ssyncadd.s32 $0xFFFF8000  }
.LBB2_7:
0x44: {  	[hbm:s16] =	stream.linear.scatter [tilespmem:s13], [sflag:$0x3], $0x400, $0x38;
	[tilespmem:$0x10200] =	vst v63  }
0x45: {  	s16 =	smov.u32 s14;
	s13 =	smov.u32 s15;
	p0 =	sne.s32 s14, $0xF80  }
.Ltmp5:
0x46: {  	s14 =	sadd.s32 $0x80, s14;
	(pc) =	sbr.rel @p0 .LBB2_7-.Ltmp5, $2  }
0x47: {  	_ =	sdelay $0x2  }
0x48: {  	s15 =	sadd.s32 $0x400, s15;
	s16 =	sadd.s32 s16, s12  }
.Ltmp6:
0x49: {  	(pc) =	sbr.rel .LBB2_9-.Ltmp6, $2  }
0x4a: {  	_ =	sdelay $0x2  }
0x4b: {  	[hbm:s16] =	stream.linear.scatter [tilespmem:s13], [sflag:$0x3], $0x400, $0x38;
	[tilespmem:$0x10200] =	vst v63  }
.LBB2_2:
.Ltmp7:
0x4c: {  	(pc) =	sbr.rel .LBB2_10-.Ltmp7, $4  }
0x4d: {  	_ = 	snop  }
0x4e: {  	s12 =	sshrl.u32 s11, $0x3  }
0x4f: {  	s13 =	sand.u32 $0x7, s11;
	s12 =	sadd.s32 s3, s12  }
0x50: {  	[tilespmem:s9], [sflag:$0x2] =	stream.linear.gather [hbm4b:s12+s13], $0x100, $0x38;
	[tilespmem:$0x10200] =	vst v63  }
.LBB2_11:
0x51: {  	s2 =	simm.s32 $0x3  }
0x52: {  	_ =	swait.ge [sflag:s2], $0x8000  }
0x53: {  	[sflag:s2] =	ssyncset.done $0x0  }
0x54: {  	[sflag:s2] =	ssyncadd.s32 $0xFFFF8000  }
0x55: {  	_ =	sfence.sel $0x180000  }
0x56: {  	s3 =	simm.s32 $0x2;
	[bflag:$0x0] =	sbarrier.arrive $0xFFFF  }
0x57: {  	[sflag:s3] =	ssyncpa.u1 $0x1  }
0x58: {  	s31 =	simm.s32 $0x1;
	[sflag:s2] =	ssyncpa.u1 $0x1  }
0x59: {  	[sflag:s31] =	ssyncpa.u1 $0x1  }
0x5a: {  	p0 =	sne.s32 s1, $0x0;
	_ =	strace $0x90000047  }
0x5b: {  	s0 =	sadd.s32 @!p0 $0x100000, s0;
	[bflag:$0x2] =	sbarrier.arrive $0xFFFF  }
0x5c: {  	[sflag:s0] =	ssyncadd.tile.s32 @!p0 $0x1;
	_ =	shalt  }
.Lfunc_end2:
_tile_overlayer_lowered:
.L_overlay_start_2:
0x5d: {  	(tag) =	ssettag $0x2  }
0x5e: {  	s0 =	rddreg [dreg:$0x0];
	s2 =	stileid.u32  }
0x5f: {  	s1 =	rddreg [dreg:$0x1];
	p0 =	sne.s32 s2, $0x0  }
0x60: {  	s3 =	rddreg [dreg:$0x2];
	[bflag:$0x3] =	sbarrier.arrive $0xFFFF;
	s2 =	simm.s32 @!p0 $0x1C01  }
0x61: {  	[timem:s3], [sflag:s2] =	dma.local @!p0 [hbm:s0], s1  }
0x62: {  	s0 =	simm.s32 @!p0 $0x1  }
0x63: {  	_ =	swait.ge @!p0 [sflag:s0], s1  }
0x64: {  	s1 =	ssub.s32 @!p0 $0x0, s1;
	[sflag:s0] =	ssyncset.done @!p0 $0x0  }
0x65: {  	[sflag:s0] =	ssyncadd.s32 @!p0 s1  }
0x66: {  	[bflag:$0x3] =	sbarrier.arrive $0xFFFF  }
0x67: {  	_ =	shalt  }

// kernel: sparse-core-data-format-call.cloned.1.call-start
scs
called_computation_lowered:
.L_overlay_start_0:
0x0: {  	s2 =	sld [smem:$0x3FD9]  }
0x1: {  	s3 =	sld [smem:$0x3FFE];
	_ =	sdelay $0x1  }
0x2: {  	s1 =	srdreg.scid  }
0x3: {  	s0 =	sand.u32 $0x1, s1  }
0x4: {  	s18 =	sshll.u32 s0, $0xA;
	s2 =	sadd.s32 s3, s2  }
0x5: {  	s2 =	sadd.s32 s2, s18  }
0x6: {  	[smem:$0x3F97] =	sst s2  }
0x7: {  	_ = 	snop  }
0x8: {  	(tm) =	ssettm $0x1  }
0x9: {  	s19 =	sld [smem:$0x3FFB];
	_ =	sdelay $0x3  }
0xa: {  	_ =	strace s19  }
0xb: {  	s2 =	sld [smem:$0x3FFC];
	_ =	sdelay $0x3  }
0xc: {  	_ =	strace s2  }
0xd: {  	s2 =	sld [smem:$0x3FFD];
	_ =	sdelay $0x3  }
0xe: {  	_ =	strace s2  }
0xf: {  	_ =	strace $0x8FFFFFFF  }
0x10: {  	s20 =	sld [smem:$0x3FDB];
	_ =	sdelay $0x1  }
0x11: {  	s21 =	simm.s32 $_scs_section_size  }
0x12: {  	s4 =	simm.s32 $_size__tile_overlayer_lowered;
	s5 =	simm.s32 $_tile_overlayer_lowered  }
0x13: {  	s6 =	simm.s32 $0x1BFF;
	s22 =	sshll.u32 s5, $0x1;
	s3 =	sadd.s32 s21, s20  }
0x14: {  	s23 =	simm.s32 $0x0;
	s4 =	sshll.u32 s4, $0x1;
	s5 =	sadd.s32 s22, s3  }
0x15: {  	[timem:s23], [sflag:s6] =	dma.local [hbm:s5], s4  }
0x16: {  	_ =	swait.ge [sflag:s6], s4  }
0x17: {  	s4 =	ssub.s32 $0x0, s4;
	[sflag:s6] =	ssyncset.done $0x0  }
0x18: {  	[sflag:s6] =	ssyncadd.s32 s4;
	_ =	sdelay $0x1  }
0x19: {  	s24 =	simm.s32 $0x1B8B  }
0x1a: {  	_ =	swait.ge [sflag:s24], $0x1  }
0x1b: {  	[sflag:s24] =	ssyncset.done $0x0  }
0x1c: {  	[sflag:s24] =	ssyncadd.s32 $0xFFFFFFFF  }
0x1d: {  	s4 =	sld [smem:$0x0]  }
0x1e: {  	s5 =	sand.u32 $0xFFFFFFFE, s1  }
0x1f: {  	p0 =	sne.s32 s1, s5  }
0x20: {  	s5 =	sshll.u32 @p0 s5, $0xE  }
0x21: {  	s5 =	sadd.s32 @p0 $0x11B8D, s5;
	s6 =	sshll.u32 @p0 s4, $0x11  }
0x22: {  	s5 =	sor.u32 @p0 s6, s5  }
0x23: {  	[sflag:s5] =	ssyncadd.remote.s32 @p0 $0x1;
	_ =	sdelay $0x1  }
0x24: {  	s5 =	simm.s32 @p0 $0x1B8D  }
0x25: {  	_ =	swait.eq @p0 [sflag:s5], $0x1  }
0x26: {  	[sflag:s5] =	ssyncadd.s32 @p0 $0xFFFFFFFF  }
0x27: {  	s6 =	sshll.u32 @!p0 s1, $0xE  }
0x28: {  	s6 =	sor.u32 @!p0 $0x4000, s6;
	s5 =	simm.s32 @!p0 $0x1B8D  }
0x29: {  	s4 =	sshll.u32 @!p0 s4, $0x11;
	s6 =	sadd.s32 @!p0 $0x11B8D, s6;
	_ =	swait.eq @!p0 [sflag:s5], $0x1  }
0x2a: {  	s4 =	sor.u32 @!p0 s4, s6;
	[sflag:s5] =	ssyncadd.s32 @!p0 $0xFFFFFFFF  }
0x2b: {  	s26 =	simm.s32 $0x1B8E;
	s25 =	sld [smem:$0x3FFE];
	[sflag:s4] =	ssyncadd.remote.s32 @!p0 $0x1  }
0x2c: {  	s27 =	simm.s32 $execute0_lowered;
	[smem:$0x3FD2] =	sst s26  }
0x2d: {  	s5 =	sshll.u32 s27, $0x1;
	_ =	strace $0x8000004C;
	[dreg:$0x1] =	wrdreg $0xFFFFFFFF  }
0x2e: {  	s28 =	simm.s32 $_size_execute0_lowered;
	s3 =	sadd.s32 s3, s5;
	[dreg:$0x0] =	wrdreg $0x0  }
0x2f: {  	s5 =	sshll.u32 s28, $0x1;
	[dreg:$0x2] =	wrdreg s3  }
0x30: {  	[dreg:$0x3] =	wrdreg s5  }
0x31: {  	[dreg:$0x4] =	wrdreg $0xC0  }
0x32: {  	_ =	task [dreg:s23], $0x5FFFF  }
0x33: {  	[dreg:$0x1] =	wrdreg $0xFFFFFFFF  }
0x34: {  	[dreg:$0x0] =	wrdreg $0x60  }
0x35: {  	[dreg:$0x2] =	wrdreg s25  }
0x36: {  	[dreg:$0x3] =	wrdreg $0x9  }
0x37: {  	_ =	task.clear_ibuf [dreg:s23], $0x4FFFF;
	_ =	strace $0x9000004C  }
0x38: {  	s29 =	simm.s32 $0x9;
	_ =	strace $0x8000004E  }
0x39: {  	_ =	swait.ge [sflag:s29], $0x1  }
0x3a: {  	[sflag:s29] =	ssyncadd.s32 $0xFFFFFFFF  }
0x3b: {  	_ =	strace $0x9000004E  }
0x3c: {  	_ =	sfence  }
0x3d: {  	s30 =	sld [smem:$0x0];
	_ =	sdelay $0x2  }
0x3e: {  	s31 =	sshll.u32 s1, $0xD;
	s1 =	sshrl.u32 s1, $0x2  }
0x3f: {  	s4 =	sand.u32 $0x4000, s31;
	s1 =	sadd.s32 s1, s30  }
0x40: {  	s0 =	sor.u32 s4, s0;
	s1 =	sshll.u32 s1, $0x11  }
0x41: {  	s0 =	sor.u32 s1, s0  }
0x42: {  	s0 =	sadd.s32 $0x8F2B, s0  }
0x43: {  	[sflag:s0] =	ssyncadd.remote.s32 $0x1  }
0x44: {  	_ =	sfence.sel $0xFFFF  }
0x45: {  	[dreg:$0x0] =	wrdreg $0xFFFFFFFF;
	(pc) =	sbr.abs _section_cstart, $3  }
0x46: {  	[dreg:$0x1] =	wrdreg $0xFFFFFFFF  }
0x47: {  	_ =	task.clear_ibuf [dreg:s23], $0x2FFFF;
	_ =	strace $0x9FFFFFFF  }
0x48: {  	(tm) =	ssettm $0x7FFFFFFF  }
0x49: {  	_ =	shalt  }
tec
execute0_lowered:
.L_overlay_start_1:
0x0: {  	(tag) =	ssettag $0x1  }
0x1: {  	s0 =	stileid.u32;
	s1 =	srdreg.scid  }
0x2: {  	s4 =	rddreg [dreg:$0x0];
	s7 =	simm.s32 $0x1;
	s31 =	simm.s32 $0x2  }
0x3: {  	s16 =	simm.s32 $0x0;
	s2 =	sshll.u32 s0, $0x4;
	s1 =	sshll.u32 s1, $0x8  }
0x4: {  	s9 =	simm.s32 $0x2000;
	s14 =	simm.s32 $0x0;
	s1 =	sor.u32 s2, s1  }
0x5: {  	s15 =	simm.s32 $0x0;
	s10 =	simm.s32 $0x0;
	s2 =	sand.u32 $0x180, s1  }
0x6: {  	s13 =	simm.s32 $0x0;
	s3 =	sadd.s32 $0x128600, s4;
	s5 =	ssub.s32 $0x400, s2  }
0x7: {  	s4 =	sadd.s32 $0x529200, s4;
	s1 =	rddreg [dreg:$0x1];
	s6 =	sand.u32 $0x180, s5  }
.Ltmp0:
0x8: {  	_ =	strace $0x8000004D;
	p0 =	sne.s32 s6, $0x0;
	(pc) =	sbr.rel .LBB1_1-.Ltmp0, $4  }
0x9: {  	s11 =	smov.u32 s2;
	s8 =	sshrl.u32 s5, $0x9;
	s7 =	simm.s32 @!p0 $0x0  }
0xa: {  	s5 =	sand.u32 $0x7, s0;
	s6 =	simm.s32 $0x1;
	s7 =	sadd.s32 s7, s8  }
0xb: {  	s12 =	smov.u32 s5;
	[sflag:s6] =	ssyncpa.u1 $0x0;
	s7 =	sshll.u32 s7, $0x5  }
0xc: {  	p0 =	por $0x0, $0x0;
	[sflag:s31] =	ssyncpa.u1 $0x0;
	s8 =	sor.u32 $0x1, s7  }
.LBB1_4:
0xd: {  	v5 =	vld [tilespmem:s20+$0xFFFFFFD0];
	[tilespmem:s19+$0x2040 ss:$0x81] =	vst.msk $0xffff, v1  }
0xe: {  	v58 =	vld [tilespmem:s20+$0xFFFFFFE0];
	[tilespmem:s19+$0x2850 ss:$0x81] =	vst.msk $0xffff, v2  }
0xf: {  	s21 =	sshra.s32 s21, $0x2;
	v59 =	vld [tilespmem:s20+$0xFFFFFFF0];
	[tilespmem:s19+$0x3060 ss:$0x81] =	vst.msk $0xffff, v3  }
0x10: {  	v60 =	vld [tilespmem:s20+$0x0];
	[tilespmem:s19+$0x0 ss:$0x81] =	vst.msk $0xffff, v0;
	s18 =	sadd.s32 s21, s18  }
0x11: {  	v61 =	vld [tilespmem:s20+$0x10];
	[tilespmem:s18+$0x3870 ss:$0x81] =	vst.msk $0xffff, v4  }
0x12: {  	v62 =	vld [tilespmem:s20+$0x20];
	s26 =	sshll.u32 s16, $0xA;
	s27 =	sshll.u32 s14, $0x3;
	[tilespmem:s18+$0x810 ss:$0x81] =	vst.msk $0xffff, v5  }
0x13: {  	v63 =	vld [tilespmem:s20+$0xFFFFFFC0];
	s29 =	sshll.u32 s16, $0x7;
	s30 =	sand.u32 $0x78, s14;
	s15 =	sshll.u32 s15, $0x13;
	[tilespmem:s18+$0x1020 ss:$0x81] =	vst.msk $0xffff, v58  }
0x14: {  	s19 =	sand.u32 $0x3FE000, s26;
	s28 =	sand.u32 $0x3FFC00, s27;
	s16 =	sand.u32 $0x380, s29;
	[tilespmem:s18+$0x1830 ss:$0x81] =	vst.msk $0xffff, v59  }
0x15: {  	s31 =	sand.u32 $0x7, s14;
	s19 =	sadd.s32 s28, s19;
	s16 =	sor.u32 s30, s16;
	[tilespmem:s18+$0x2040 ss:$0x81] =	vst.msk $0xffff, v60  }
0x16: {  	s15 =	sadd.s32 s4, s15;
	s19 =	sshrl.u32 s19, $0x3;
	s16 =	sshrl.u32 s16, $0x3;
	[tilespmem:s18+$0x2850 ss:$0x81] =	vst.msk $0xffff, v61  }
0x17: {  	s14 =	sshll.u32 s31, $0x12;
	s19 =	sand.u32 $0x7FF80, s19;
	s15 =	sadd.s32 s16, s15;
	[tilespmem:s18+$0x3060 ss:$0x81] =	vst.msk $0xffff, v62  }
0x18: {  	s14 =	sor.u32 $0x400, s14;
	[tilespmem:s18+$0x0 ss:$0x81] =	vst.msk $0xffff, v63;
	s15 =	sadd.s32 s19, s15  }
0x19: {  	[hbm4b:s15+s14] =	stream.strided.scatter [tilespmem:s17], [sflag:$0x2], $0x4000, s9, s14, $0x20;
	[tilespmem:$0x10100] =	vst v63  }
.LBB1_5:
0x1a: {  	s17 =	sadd.s32 $0x80, s10  }
0x1b: {  	s14 =	sadd.s32 $0x200, s11;
	s18 =	smov.u32 s11;
	p2 =	sgt.s32 s17, $0xFFF  }
0x1c: {  	s18 =	smov.u32 @p2 s14  }
0x1d: {  	s20 =	smov.u32 s12;
	s14 =	sadd.s32 $0x8, s12;
	p3 =	sgt.s32 s18, $0x3FF  }
0x1e: {  	s20 =	smov.u32 @p3 s14  }
0x1f: {  	s17 =	simm.s32 @p2 $0x0;
	p2 =	sgt.s32 s20, $0x7  }
0x20: {  	p1 =	slt.u32 s13, $0x2;
	s20 =	smov.u32 @p2 s5;
	p2 =	sne.s32 s13, s8  }
.Ltmp1:
0x21: {  	s19 =	simm.s32 @!p1 $0x2;
	(pc) =	sbr.rel @!p2 .LBB1_6-.Ltmp1, $4  }
0x22: {  	s16 =	smov.u32 s10;
	s15 =	smov.u32 s12;
	_ =	swait.ge @!p1 [sflag:s19], $0x4000  }
0x23: {  	p0 =	por !p0, !p0;
	[sflag:s19] =	ssyncset.done @!p1 $0x0;
	s10 =	smov.u32 s17  }
0x24: {  	s18 =	smov.u32 @p3 s2;
	s14 =	smov.u32 s11;
	[sflag:s19] =	ssyncadd.s32 @!p1 $0xFFFFC000  }
0x25: {  	s11 =	smov.u32 s18;
	s13 =	sadd.s32 $0x1, s13;
	s12 =	smov.u32 s20  }
.LBB1_1:
0x26: {  	p1 =	sge.u32 s13, s7;
	s31 =	sadd.s32 $0xFFFFFFFF, s13  }
0x27: {  	s17 =	sxor.u32 @!p1 $0xFFFFFFFF, s13;
	s18 =	sand.u32 @!p1 $0x78, s10;
	s19 =	sshll.u32 @!p1 s11, $0xC  }
0x28: {  	s20 =	sshll.u32 @!p1 s11, $0x7;
	s21 =	sshll.u32 @!p1 s10, $0x3;
	s17 =	sshll.u32 @!p1 s17, $0xE  }
0x29: {  	s19 =	sand.u32 @!p1 $0x3F8000, s19;
	s20 =	sand.u32 @!p1 $0x380, s20;
	s17 =	sand.u32 @!p1 $0x4000, s17  }
0x2a: {  	s19 =	sadd.s32 @!p1 s19, s21;
	s21 =	sand.u32 @!p1 $0xC00, s21;
	s18 =	sor.u32 @!p1 s20, s18  }
0x2b: {  	s20 =	sshll.u32 @!p1 s12, $0x13;
	s18 =	sor.u32 @!p1 s21, s18;
	s19 =	sshrl.u32 @!p1 s19, $0x3  }
0x2c: {  	s20 =	sadd.s32 @!p1 s3, s20;
	s21 =	sand.u32 @!p1 $0x7, s10;
	s19 =	sand.u32 @!p1 $0x7FE00, s19  }
0x2d: {  	s18 =	sshrl.u32 @!p1 s18, $0x3;
	s19 =	sadd.s32 @!p1 s19, s20;
	s20 =	sshll.u32 @!p1 s21, $0x12  }
0x2e: {  	s18 =	sadd.s32 @!p1 s18, s19;
	s19 =	sor.u32 @!p1 $0x400, s20;
	s20 =	simm.s32 @!p1 $0x8000  }
0x2f: {  	[tilespmem:s17], [sflag:$0x1] =	stream.strided.gather @!p1 [hbm4b:s18+s19], $0x4000, s20, s19, $0x38;
	[tilespmem:$0x10100] =	vst v63  }
0x30: {  	p1 =	sge.u32 s31, s7  }
.Ltmp2:
0x31: {  	_ = 	snop;
	(pc) =	sbr.rel @p1 .LBB1_5-.Ltmp2, $1  }
0x32: {  	_ =	sdelay $0x3  }
0x33: {  	s17 =	simm.s32 $0x1  }
0x34: {  	_ =	swait.ge [sflag:s6], $0x4000;
	s17 =	simm.s32 @!p0 $0x0  }
0x35: {  	[sflag:s6] =	ssyncset.done $0x0;
	s18 =	sshll.u32 s17, $0xE  }
0x36: {  	[sflag:s6] =	ssyncadd.s32 $0xFFFFC000;
	s20 =	sor.u32 $0x40, s18  }
0x37: {  	s17 =	smul.u32 $0x10200, s17;
	v0 =	vld [tilespmem:s20+$0x30]  }
0x38: {  	v3 =	vld [tilespmem:s20+$0xFFFFFFD0]  }
0x39: {  	s17 =	sshrl.u32 s17, $0x2;
	v4 =	vld [tilespmem:s20+$0xFFFFFFE0]  }
0x3a: {  	v5 =	vld [tilespmem:s20+$0xFFFFFFF0];
	s18 =	sor.u32 $0x8000, s17  }
0x3b: {  	s31 =	sand.u32 $0x1, s13;
	v1 =	vld [tilespmem:s20+$0x0];
	s19 =	sadd.s32 $0x0, s18  }
0x3c: {  	v2 =	vld [tilespmem:s20+$0x10];
	s17 =	smul.u32 $0x10200, s31;
	[tilespmem:s19+$0x3870 ss:$0x81] =	vst.msk $0xffff, v0  }
0x3d: {  	[tilespmem:s19+$0x810 ss:$0x81] =	vst.msk $0xffff, v3;
	v3 =	vld [tilespmem:s20+$0x20]  }
0x3e: {  	s17 =	sshrl.u32 s17, $0x2;
	v0 =	vld [tilespmem:s20+$0xFFFFFFC0];
	[tilespmem:s19+$0x1020 ss:$0x81] =	vst.msk $0xffff, v4;
	s20 =	sadd.s32 $0x80, s20  }
0x3f: {  	s21 =	simm.s32 $0x4;
	s22 =	simm.s32 $0x8;
	s17 =	sor.u32 $0x8000, s17;
	[tilespmem:s19+$0x1830 ss:$0x81] =	vst.msk $0xffff, v5;
	v4 =	vld [tilespmem:s20+$0x30]  }
.LBB1_3:
0x40: {  	p1 =	sne.s32 s22, $0x1FC;
	v5 =	vld [tilespmem:s20+$0xFFFFFFD0];
	[tilespmem:s19+$0x2040 ss:$0x81] =	vst.msk $0xffff, v1  }
0x41: {  	v6 =	vld [tilespmem:s20+$0xFFFFFFE0];
	[tilespmem:s19+$0x2850 ss:$0x81] =	vst.msk $0xffff, v2  }
0x42: {  	s23 =	sshra.s32 s21, $0x2;
	s21 =	smov.u32 s22;
	v7 =	vld [tilespmem:s20+$0xFFFFFFF0];
	[tilespmem:s19+$0x3060 ss:$0x81] =	vst.msk $0xffff, v3  }
.Ltmp3:
0x43: {  	v1 =	vld [tilespmem:s20+$0x0];
	[tilespmem:s19+$0x0 ss:$0x81] =	vst.msk $0xffff, v0;
	s19 =	sadd.s32 s23, s18;
	(pc) =	sbr.rel @p1 .LBB1_3-.Ltmp3, $4  }
0x44: {  	v2 =	vld [tilespmem:s20+$0x10];
	[tilespmem:s19+$0x3870 ss:$0x81] =	vst.msk $0xffff, v4  }
0x45: {  	[tilespmem:s19+$0x810 ss:$0x81] =	vst.msk $0xffff, v5;
	v3 =	vld [tilespmem:s20+$0x20]  }
0x46: {  	v0 =	vld [tilespmem:s20+$0xFFFFFFC0];
	[tilespmem:s19+$0x1020 ss:$0x81] =	vst.msk $0xffff, v6;
	s20 =	sadd.s32 $0x80, s20  }
0x47: {  	s22 =	sadd.s32 $0x4, s22;
	v4 =	vld [tilespmem:s20+$0x30];
	[tilespmem:s19+$0x1830 ss:$0x81] =	vst.msk $0xffff, v7  }
.Ltmp4:
0x48: {  	_ = 	snop;
	(pc) =	sbr.rel .LBB1_4-.Ltmp4, $1  }
0x49: {  	_ =	sdelay $0x3  }
.LBB1_6:
0x4a: {  	_ =	sfence.sel $0x180000  }
0x4b: {  	s2 =	simm.s32 $0x1;
	[bflag:$0x0] =	sbarrier.arrive $0xFFFF  }
0x4c: {  	s31 =	simm.s32 $0x2;
	[sflag:s2] =	ssyncpa.u1 $0x1  }
0x4d: {  	[sflag:s31] =	ssyncpa.u1 $0x1  }
0x4e: {  	p0 =	sne.s32 s0, $0x0;
	_ =	strace $0x9000004D  }
0x4f: {  	s0 =	sadd.s32 @!p0 $0x100000, s1;
	[bflag:$0x2] =	sbarrier.arrive $0xFFFF  }
0x50: {  	[sflag:s0] =	ssyncadd.tile.s32 @!p0 $0x1;
	_ =	shalt  }
.Lfunc_end1:
_tile_overlayer_lowered:
.L_overlay_start_2:
0x51: {  	(tag) =	ssettag $0x2  }
0x52: {  	s0 =	rddreg [dreg:$0x0];
	s2 =	stileid.u32  }
0x53: {  	s1 =	rddreg [dreg:$0x1];
	p0 =	sne.s32 s2, $0x0  }
0x54: {  	s3 =	rddreg [dreg:$0x2];
	[bflag:$0x3] =	sbarrier.arrive $0xFFFF;
	s2 =	simm.s32 @!p0 $0x1C01  }
0x55: {  	[timem:s3], [sflag:s2] =	dma.local @!p0 [hbm:s0], s1  }
0x56: {  	s0 =	simm.s32 @!p0 $0x1  }
0x57: {  	_ =	swait.ge @!p0 [sflag:s0], s1  }
0x58: {  	s1 =	ssub.s32 @!p0 $0x0, s1;
	[sflag:s0] =	ssyncset.done @!p0 $0x0  }
0x59: {  	[sflag:s0] =	ssyncadd.s32 @!p0 s1  }
0x5a: {  	[bflag:$0x3] =	sbarrier.arrive $0xFFFF  }
0x5b: {  	_ =	shalt  }

</sc_bundles>
